<compile_context>
chip_gen: v7x
topology: tpu7x:2x2x1
jax: 0.10.2.dev20260603
libtpu: 0.0.44.dev20260713+nightly
codegen_flags: <defaults>
</compile_context>

<pallas_src>
import functools

import jax
import jax.numpy as jnp
from jax import lax
from jax.experimental import pallas as pl
from jax.experimental.pallas import tpu as pltpu
from jax.experimental.pallas import tpu_sc as plsc

_B, _C, _D = 128, 1024, 256
_NC, _NS = 2, 16
_NW = _NC * _NS
_BPW = _B // _NW
_CHUNK = 64
_CPB = _C // _CHUNK
_NBUF = 4
_T = _BPW * _CPB
_NGRP = _T // _NBUF


def _worker_body(x_hbm, idx_hbm, out_hbm, idx_v, rows_v, gsems, wsems):
    wid = lax.axis_index("s") * _NC + lax.axis_index("c")
    pltpu.sync_copy(idx_hbm, idx_v)
    def gather(t, slot):
        b = wid + (t // _CPB) * _NW
        koff = pl.multiple_of((t % _CPB) * _CHUNK, _CHUNK)
        pltpu.async_copy(
            x_hbm.at[b].at[idx_v.at[pl.ds(koff, _CHUNK)]],
            rows_v.at[slot],
            gsems[slot],
        )

    def wait_gather(slot):
        pltpu.make_async_copy(
            x_hbm.at[0].at[idx_v.at[pl.ds(0, _CHUNK)]],
            rows_v.at[slot],
            gsems[slot],
        ).wait()

    def write_back(t, slot):
        b = wid + (t // _CPB) * _NW
        koff = pl.multiple_of((t % _CPB) * _CHUNK, _CHUNK)
        pltpu.async_copy(
            rows_v.at[slot],
            out_hbm.at[b].at[pl.ds(koff, _CHUNK)],
            wsems[slot],
        )

    def wait_write(slot):
        pltpu.make_async_copy(
            rows_v.at[slot],
            out_hbm.at[0].at[pl.ds(0, _CHUNK)],
            wsems[slot],
        ).wait()

    def group_body(g, carry):
        t0 = g * _NBUF
        for s in range(_NBUF):

            @pl.when(g > 0)
            def _():
                wait_write(s)

            gather(t0 + s, s)
            prev = (s - 1) % _NBUF
            if s == 0:

                @pl.when(g > 0)
                def _():
                    wait_gather(prev)
                    write_back(t0 - 1, prev)

            else:
                wait_gather(prev)
                write_back(t0 + s - 1, prev)
        return carry

    lax.fori_loop(0, _NGRP, group_body, 0)
    last = _NBUF - 1
    wait_gather(last)
    write_back(_T - 1, last)
    for s in range(_NBUF):
        wait_write(s)


@jax.jit
def _sc_subsample(x, idx):
    mesh = plsc.VectorSubcoreMesh(core_axis_name="c", subcore_axis_name="s")
    f = pl.kernel(
        _worker_body,
        mesh=mesh,
        out_type=jax.ShapeDtypeStruct((_B, _C, _D), jnp.float32),
        scratch_types=[
            pltpu.VMEM((_C,), jnp.int32),
            pltpu.VMEM((_NBUF, _CHUNK, _D), jnp.float32),
            [pltpu.SemaphoreType.DMA] * _NBUF,
            [pltpu.SemaphoreType.DMA] * _NBUF,
        ],
    )
    return f(x, idx)


def kernel(x, forward_shuffle_idx):
    return _sc_subsample(x, forward_shuffle_idx)

# --- scband reference (transcript-rebuilt; emitter-appended) ---
"""Pipeline reference for scband-subsample-65798898975108 (READ-ONLY COPY).

The authoritative reference and input builder live on the scoring server;
editing this copy changes nothing except your own understanding.
"""

import jax, jax.numpy as jnp
import numpy as np


def _build_subsample_idx(H, W):
    C = 1
    indices = np.arange(H * W).reshape(C, H, W)
    while min(H, W) > 1:
        indices = indices.reshape(C, H // 2, 2, W // 2, 2)
        indices = indices.transpose(0, 2, 4, 1, 3)
        indices = indices.reshape(C * 4, H // 2, W // 2)
        H = H // 2
        W = W // 2
        C = C * 4
    assert H == W == 1
    return indices.ravel()


def setup_inputs(seed: int = 0) -> dict:
    key = jax.random.key(seed)
    x = jax.random.normal(key, (128, 1024, 256), dtype=jnp.float32)
    forward_shuffle_idx = jnp.asarray(_build_subsample_idx(32, 32), dtype=jnp.int32)
    return {"x": x, "forward_shuffle_idx": forward_shuffle_idx}


def reference(x, forward_shuffle_idx):
    # Subsample.forward with reverse=False: x[:, forward_shuffle_idx]
    return jnp.take(x, forward_shuffle_idx, axis=1)

if __name__ == "__main__":
    import jax
    _d = setup_inputs()
    print(jax.jit(kernel)(*tuple(_d.values())))

</pallas_src>

<mosaic_0001>
#map = affine_map<(d0, d1) -> (0, 0, 0)>
#map1 = affine_map<(d0, d1) -> (0)>
module attributes {stable_mosaic.version = 14 : i64} {
  func.func @_worker_body(%arg0: i32, %arg1: i32, %arg2: memref<128x1024x256xf32, #tpu.memory_space<hbm>>, %arg3: memref<1024xi32, #tpu.memory_space<hbm>>, %arg4: memref<128x1024x256xf32, #tpu.memory_space<hbm>>, %arg5: memref<1024xi32, #tpu.memory_space<vmem>>, %arg6: memref<4x64x256xf32, #tpu.memory_space<vmem>>, %arg7: memref<!tpu.dma_semaphore, #tpu.memory_space<semaphore_mem>>, %arg8: memref<!tpu.dma_semaphore, #tpu.memory_space<semaphore_mem>>, %arg9: memref<!tpu.dma_semaphore, #tpu.memory_space<semaphore_mem>>, %arg10: memref<!tpu.dma_semaphore, #tpu.memory_space<semaphore_mem>>, %arg11: memref<!tpu.dma_semaphore, #tpu.memory_space<semaphore_mem>>, %arg12: memref<!tpu.dma_semaphore, #tpu.memory_space<semaphore_mem>>, %arg13: memref<!tpu.dma_semaphore, #tpu.memory_space<semaphore_mem>>, %arg14: memref<!tpu.dma_semaphore, #tpu.memory_space<semaphore_mem>>) attributes {dimension_semantics = [#tpu.dimension_semantics<core_parallel>, #tpu.dimension_semantics<subcore_parallel>], iteration_bounds = array<i64: 2, 16>, scalar_prefetch = 0 : i64, scratch_operands = 10 : i64, tpu.core_type = #tpu.core_type<sc_vector_subcore>, window_params = [{transform_indices = #map}, {transform_indices = #map1}, {transform_indices = #map}]} {
    %mul3A = arith.constant 2 : i32
    %mul3A_0 = arith.muli %arg1, %mul3A : i32
    %add3A = arith.addi %mul3A_0, %arg0 : i32
    "tpu.region"() ({
      %run_scoped3A = tpu.sem_alloc : memref<!tpu.dma_semaphore, #tpu.memory_space<semaphore_mem>>
      tpu.enqueue_dma source(%arg3 : memref<1024xi32, #tpu.memory_space<hbm>>) target(%arg5 : memref<1024xi32, #tpu.memory_space<vmem>>) target_semaphore(%run_scoped3A : memref<!tpu.dma_semaphore, #tpu.memory_space<semaphore_mem>>)
      tpu.wait_dma2 semaphore(%run_scoped3A : memref<!tpu.dma_semaphore, #tpu.memory_space<semaphore_mem>>) src(%arg3 : memref<1024xi32, #tpu.memory_space<hbm>>) dst(%arg5 : memref<1024xi32, #tpu.memory_space<vmem>>)
      tpu.yield
    }) : () -> ()
    %scan3A = arith.constant 0 : i32
    %scan3A_1 = arith.constant 0 : i32
    %scan3A_2 = arith.constant 16 : i32
    %scan3A_3 = arith.addi %scan3A_1, %scan3A_2 : i32
    %scan3A_4 = arith.constant 1 : i32
    scf.for %scan3A_139 = %scan3A_1 to %scan3A_3 step %scan3A_4  : i32 {
      %mul3A_140 = arith.constant 4 : i32
      %mul3A_141 = arith.muli %scan3A_139, %mul3A_140 : i32
      %gt3A = arith.constant 0 : i32
      %gt3A_142 = arith.cmpi sgt, %scan3A_139, %gt3A : i32
      %convert_element_type3A = arith.extui %gt3A_142 : i1 to i32
      %cond3A = arith.constant 0 : i32
      %cond3A_143 = arith.cmpi ne, %convert_element_type3A, %cond3A : i32
      scf.if %cond3A_143 {
        %dma_wait3A_656 = arith.constant 0 : i32
        %dma_wait3A_657 = arith.constant 0 : i32
        %dma_wait3A_658 = arith.constant 0 : i32
        %dma_wait3A_659 = arith.constant 0 : i32
        %dma_wait3A_660 = tpu.memref_slice %arg6[%dma_wait3A_656, %dma_wait3A_658, %dma_wait3A_659] : memref<4x64x256xf32, #tpu.memory_space<vmem>> -> memref<1x64x256xf32, #tpu.memory_space<vmem>>
        %dma_wait3A_661 = tpu.memref_squeeze %dma_wait3A_660 : memref<1x64x256xf32, #tpu.memory_space<vmem>> -> memref<64x256xf32, #tpu.memory_space<vmem>>
        %dma_wait3A_662 = arith.constant 0 : i32
        %dma_wait3A_663 = arith.constant 0 : i32
        %dma_wait3A_664 = tpu.memref_slice %arg4[%dma_wait3A_657, %dma_wait3A_662, %dma_wait3A_663] : memref<128x1024x256xf32, #tpu.memory_space<hbm>> -> memref<1x1024x256xf32, #tpu.memory_space<hbm>>
        %dma_wait3A_665 = tpu.memref_squeeze %dma_wait3A_664 : memref<1x1024x256xf32, #tpu.memory_space<hbm>> -> memref<1024x256xf32, #tpu.memory_space<hbm>>
        %dma_wait3A_666 = arith.constant 0 : i32
        %dma_wait3A_667 = arith.constant 0 : i32
        %dma_wait3A_668 = tpu.memref_slice %dma_wait3A_665[%dma_wait3A_666, %dma_wait3A_667] : memref<1024x256xf32, #tpu.memory_space<hbm>> -> memref<64x256xf32, #tpu.memory_space<hbm>>
        %dma_wait3A_669 = arith.constant 0 : i32
        %dma_wait3A_670 = arith.constant 0 : i32
        %dma_wait3A_671 = tpu.memref_slice %arg4[%dma_wait3A_657, %dma_wait3A_669, %dma_wait3A_670] : memref<128x1024x256xf32, #tpu.memory_space<hbm>> -> memref<1x1024x256xf32, #tpu.memory_space<hbm>>
        %dma_wait3A_672 = tpu.memref_squeeze %dma_wait3A_671 : memref<1x1024x256xf32, #tpu.memory_space<hbm>> -> memref<1024x256xf32, #tpu.memory_space<hbm>>
        %dma_wait3A_673 = arith.constant 0 : i32
        %dma_wait3A_674 = arith.constant 0 : i32
        %dma_wait3A_675 = tpu.memref_slice %dma_wait3A_672[%dma_wait3A_673, %dma_wait3A_674] : memref<1024x256xf32, #tpu.memory_space<hbm>> -> memref<64x256xf32, #tpu.memory_space<hbm>>
        %dma_wait3A_676 = arith.constant 0 : i32
        %dma_wait3A_677 = arith.constant 0 : i32
        %dma_wait3A_678 = tpu.memref_slice %arg6[%dma_wait3A_656, %dma_wait3A_676, %dma_wait3A_677] : memref<4x64x256xf32, #tpu.memory_space<vmem>> -> memref<1x64x256xf32, #tpu.memory_space<vmem>>
        %dma_wait3A_679 = tpu.memref_squeeze %dma_wait3A_678 : memref<1x64x256xf32, #tpu.memory_space<vmem>> -> memref<64x256xf32, #tpu.memory_space<vmem>>
        tpu.wait_dma2 semaphore(%arg11 : memref<!tpu.dma_semaphore, #tpu.memory_space<semaphore_mem>>) src(%dma_wait3A_679 : memref<64x256xf32, #tpu.memory_space<vmem>>) dst(%dma_wait3A_675 : memref<64x256xf32, #tpu.memory_space<hbm>>)
      } else {
      }
      %add3A_144 = arith.constant 0 : i32
      %add3A_145 = arith.addi %mul3A_141, %add3A_144 : i32
      %jit3A = arith.constant 16 : i32
      %div3A = arith.divsi %add3A_145, %jit3A : i32
      %sign3A = arith.constant 0 : i32
      %sign3A_146 = arith.cmpi sgt, %add3A_145, %sign3A : i32
      %sign3A_147 = arith.extui %sign3A_146 : i1 to i32
      %sign3A_148 = arith.constant 0 : i32
      %sign3A_149 = arith.cmpi slt, %add3A_145, %sign3A_148 : i32
      %sign3A_150 = arith.extui %sign3A_149 : i1 to i32
      %sign3A_151 = arith.subi %sign3A_147, %sign3A_150 : i32
      %sign3A_152 = arith.constant 0 : i32
      %sign3A_153 = arith.cmpi sgt, %jit3A, %sign3A_152 : i32
      %sign3A_154 = arith.extui %sign3A_153 : i1 to i32
      %sign3A_155 = arith.constant 0 : i32
      %sign3A_156 = arith.cmpi slt, %jit3A, %sign3A_155 : i32
      %sign3A_157 = arith.extui %sign3A_156 : i1 to i32
      %sign3A_158 = arith.subi %sign3A_154, %sign3A_157 : i32
      %ne3A = arith.cmpi ne, %sign3A_151, %sign3A_158 : i32
      %rem3A = arith.remsi %add3A_145, %jit3A : i32
      %ne3A_159 = arith.constant 0 : i32
      %ne3A_160 = arith.cmpi ne, %rem3A, %ne3A_159 : i32
      %and3A = arith.andi %ne3A, %ne3A_160 : i1
      %sub3A = arith.constant 1 : i32
      %sub3A_161 = arith.subi %div3A, %sub3A : i32
      %select_n3A = arith.select %and3A, %sub3A_161, %div3A : i32
      %mul3A_162 = arith.constant 32 : i32
      %mul3A_163 = arith.muli %select_n3A, %mul3A_162 : i32
      %add3A_164 = arith.addi %add3A, %mul3A_163 : i32
      %jit3A_165 = arith.constant 16 : i32
      %eq3A = arith.constant 0 : i32
      %eq3A_166 = arith.cmpi eq, %jit3A_165, %eq3A : i32
      %jit3A_167 = arith.constant 1 : i32
      %select_n3A_168 = arith.select %eq3A_166, %jit3A_167, %jit3A_165 : i32
      %rem3A_169 = arith.remsi %add3A_145, %select_n3A_168 : i32
      %ne3A_170 = arith.constant 0 : i32
      %ne3A_171 = arith.cmpi ne, %rem3A_169, %ne3A_170 : i32
      %lt3A = arith.constant 0 : i32
      %lt3A_172 = arith.cmpi slt, %rem3A_169, %lt3A : i32
      %lt3A_173 = arith.constant 0 : i32
      %lt3A_174 = arith.cmpi slt, %select_n3A_168, %lt3A_173 : i32
      %ne3A_175 = arith.xori %lt3A_172, %lt3A_174 : i1
      %and3A_176 = arith.andi %ne3A_175, %ne3A_171 : i1
      %add3A_177 = arith.addi %rem3A_169, %select_n3A_168 : i32
      %select_n3A_178 = arith.select %and3A_176, %add3A_177, %rem3A_169 : i32
      %mul3A_179 = arith.constant 64 : i32
      %mul3A_180 = arith.muli %select_n3A_178, %mul3A_179 : i32
      %multiple_of3A_181 = tpu.assume_multiple %mul3A_180, 64 : i32
      %dma_start3A_182 = arith.constant 0 : i32
      %dma_start3A_183 = arith.constant 0 : i32
      %dma_start3A_184 = arith.constant 0 : i32
      %dma_start3A_185 = tpu.memref_slice %arg6[%dma_start3A_182, %dma_start3A_183, %dma_start3A_184] : memref<4x64x256xf32, #tpu.memory_space<vmem>> -> memref<1x64x256xf32, #tpu.memory_space<vmem>>
      %dma_start3A_186 = tpu.memref_squeeze %dma_start3A_185 : memref<1x64x256xf32, #tpu.memory_space<vmem>> -> memref<64x256xf32, #tpu.memory_space<vmem>>
      %dma_start3A_187 = tpu.memref_slice %arg5[%multiple_of3A_181] : memref<1024xi32, #tpu.memory_space<vmem>> -> memref<64xi32, #tpu.memory_space<vmem>>
      %dma_start3A_188 = arith.constant 0 : i32
      %dma_start3A_189 = arith.constant 0 : i32
      %dma_start3A_190 = tpu.memref_slice %arg2[%add3A_164, %dma_start3A_188, %dma_start3A_189] : memref<128x1024x256xf32, #tpu.memory_space<hbm>> -> memref<1x1024x256xf32, #tpu.memory_space<hbm>>
      %dma_start3A_191 = tpu.memref_squeeze %dma_start3A_190 : memref<1x1024x256xf32, #tpu.memory_space<hbm>> -> memref<1024x256xf32, #tpu.memory_space<hbm>>
      %dma_start3A_192 = arith.constant 0 : i32
      %dma_start3A_193 = arith.constant 0 : i32
      %dma_start3A_194 = tpu.memref_slice %dma_start3A_191[%dma_start3A_192, %dma_start3A_193] : memref<1024x256xf32, #tpu.memory_space<hbm>> -> memref<1024x256xf32, #tpu.memory_space<hbm>>
      tpu.enqueue_indirect_dma source(%dma_start3A_194 : memref<1024x256xf32, #tpu.memory_space<hbm>>) target(%dma_start3A_186 : memref<64x256xf32, #tpu.memory_space<vmem>>) offsets(%dma_start3A_187 : memref<64xi32, #tpu.memory_space<vmem>>) semaphore(%arg7 : memref<!tpu.dma_semaphore, #tpu.memory_space<semaphore_mem>>)
      %gt3A_195 = arith.constant 0 : i32
      %gt3A_196 = arith.cmpi sgt, %scan3A_139, %gt3A_195 : i32
      %convert_element_type3A_197 = arith.extui %gt3A_196 : i1 to i32
      %cond3A_198 = arith.constant 0 : i32
      %cond3A_199 = arith.cmpi ne, %convert_element_type3A_197, %cond3A_198 : i32
      scf.if %cond3A_199 {
        %dma_wait3A_656 = arith.constant 0 : i32
        %dma_wait3A_657 = arith.constant 3 : i32
        %dma_wait3A_658 = arith.constant 0 : i32
        %dma_wait3A_659 = arith.constant 0 : i32
        %dma_wait3A_660 = tpu.memref_slice %arg6[%dma_wait3A_657, %dma_wait3A_658, %dma_wait3A_659] : memref<4x64x256xf32, #tpu.memory_space<vmem>> -> memref<1x64x256xf32, #tpu.memory_space<vmem>>
        %dma_wait3A_661 = tpu.memref_squeeze %dma_wait3A_660 : memref<1x64x256xf32, #tpu.memory_space<vmem>> -> memref<64x256xf32, #tpu.memory_space<vmem>>
        %dma_wait3A_662 = arith.constant 0 : i32
        %dma_wait3A_663 = tpu.memref_slice %arg5[%dma_wait3A_662] : memref<1024xi32, #tpu.memory_space<vmem>> -> memref<64xi32, #tpu.memory_space<vmem>>
        %dma_wait3A_664 = arith.constant 0 : i32
        %dma_wait3A_665 = arith.constant 0 : i32
        %dma_wait3A_666 = tpu.memref_slice %arg2[%dma_wait3A_656, %dma_wait3A_664, %dma_wait3A_665] : memref<128x1024x256xf32, #tpu.memory_space<hbm>> -> memref<1x1024x256xf32, #tpu.memory_space<hbm>>
        %dma_wait3A_667 = tpu.memref_squeeze %dma_wait3A_666 : memref<1x1024x256xf32, #tpu.memory_space<hbm>> -> memref<1024x256xf32, #tpu.memory_space<hbm>>
        %dma_wait3A_668 = arith.constant 0 : i32
        %dma_wait3A_669 = arith.constant 0 : i32
        %dma_wait3A_670 = tpu.memref_slice %dma_wait3A_667[%dma_wait3A_668, %dma_wait3A_669] : memref<1024x256xf32, #tpu.memory_space<hbm>> -> memref<1024x256xf32, #tpu.memory_space<hbm>>
        tpu.wait_indirect_dma semaphore(%arg10 : memref<!tpu.dma_semaphore, #tpu.memory_space<semaphore_mem>>) src(%dma_wait3A_670 : memref<1024x256xf32, #tpu.memory_space<hbm>>) dst(%dma_wait3A_661 : memref<64x256xf32, #tpu.memory_space<vmem>>)
        %sub3A_671 = arith.constant 1 : i32
        %sub3A_672 = arith.subi %mul3A_141, %sub3A_671 : i32
        %jit3A_673 = arith.constant 16 : i32
        %div3A_674 = arith.divsi %sub3A_672, %jit3A_673 : i32
        %sign3A_675 = arith.constant 0 : i32
        %sign3A_676 = arith.cmpi sgt, %sub3A_672, %sign3A_675 : i32
        %sign3A_677 = arith.extui %sign3A_676 : i1 to i32
        %sign3A_678 = arith.constant 0 : i32
        %sign3A_679 = arith.cmpi slt, %sub3A_672, %sign3A_678 : i32
        %sign3A_680 = arith.extui %sign3A_679 : i1 to i32
        %sign3A_681 = arith.subi %sign3A_677, %sign3A_680 : i32
        %sign3A_682 = arith.constant 0 : i32
        %sign3A_683 = arith.cmpi sgt, %jit3A_673, %sign3A_682 : i32
        %sign3A_684 = arith.extui %sign3A_683 : i1 to i32
        %sign3A_685 = arith.constant 0 : i32
        %sign3A_686 = arith.cmpi slt, %jit3A_673, %sign3A_685 : i32
        %sign3A_687 = arith.extui %sign3A_686 : i1 to i32
        %sign3A_688 = arith.subi %sign3A_684, %sign3A_687 : i32
        %ne3A_689 = arith.cmpi ne, %sign3A_681, %sign3A_688 : i32
        %rem3A_690 = arith.remsi %sub3A_672, %jit3A_673 : i32
        %ne3A_691 = arith.constant 0 : i32
        %ne3A_692 = arith.cmpi ne, %rem3A_690, %ne3A_691 : i32
        %and3A_693 = arith.andi %ne3A_689, %ne3A_692 : i1
        %sub3A_694 = arith.constant 1 : i32
        %sub3A_695 = arith.subi %div3A_674, %sub3A_694 : i32
        %select_n3A_696 = arith.select %and3A_693, %sub3A_695, %div3A_674 : i32
        %mul3A_697 = arith.constant 32 : i32
        %mul3A_698 = arith.muli %select_n3A_696, %mul3A_697 : i32
        %add3A_699 = arith.addi %add3A, %mul3A_698 : i32
        %jit3A_700 = arith.constant 16 : i32
        %eq3A_701 = arith.constant 0 : i32
        %eq3A_702 = arith.cmpi eq, %jit3A_700, %eq3A_701 : i32
        %jit3A_703 = arith.constant 1 : i32
        %select_n3A_704 = arith.select %eq3A_702, %jit3A_703, %jit3A_700 : i32
        %rem3A_705 = arith.remsi %sub3A_672, %select_n3A_704 : i32
        %ne3A_706 = arith.constant 0 : i32
        %ne3A_707 = arith.cmpi ne, %rem3A_705, %ne3A_706 : i32
        %lt3A_708 = arith.constant 0 : i32
        %lt3A_709 = arith.cmpi slt, %rem3A_705, %lt3A_708 : i32
        %lt3A_710 = arith.constant 0 : i32
        %lt3A_711 = arith.cmpi slt, %select_n3A_704, %lt3A_710 : i32
        %ne3A_712 = arith.xori %lt3A_709, %lt3A_711 : i1
        %and3A_713 = arith.andi %ne3A_712, %ne3A_707 : i1
        %add3A_714 = arith.addi %rem3A_705, %select_n3A_704 : i32
        %select_n3A_715 = arith.select %and3A_713, %add3A_714, %rem3A_705 : i32
        %mul3A_716 = arith.constant 64 : i32
        %mul3A_717 = arith.muli %select_n3A_715, %mul3A_716 : i32
        %multiple_of3A_718 = tpu.assume_multiple %mul3A_717, 64 : i32
        %dma_start3A_719 = arith.constant 3 : i32
        %dma_start3A_720 = arith.constant 0 : i32
        %dma_start3A_721 = arith.constant 0 : i32
        %dma_start3A_722 = tpu.memref_slice %arg6[%dma_start3A_719, %dma_start3A_720, %dma_start3A_721] : memref<4x64x256xf32, #tpu.memory_space<vmem>> -> memref<1x64x256xf32, #tpu.memory_space<vmem>>
        %dma_start3A_723 = tpu.memref_squeeze %dma_start3A_722 : memref<1x64x256xf32, #tpu.memory_space<vmem>> -> memref<64x256xf32, #tpu.memory_space<vmem>>
        %dma_start3A_724 = arith.constant 0 : i32
        %dma_start3A_725 = arith.constant 0 : i32
        %dma_start3A_726 = tpu.memref_slice %arg4[%add3A_699, %dma_start3A_724, %dma_start3A_725] : memref<128x1024x256xf32, #tpu.memory_space<hbm>> -> memref<1x1024x256xf32, #tpu.memory_space<hbm>>
        %dma_start3A_727 = tpu.memref_squeeze %dma_start3A_726 : memref<1x1024x256xf32, #tpu.memory_space<hbm>> -> memref<1024x256xf32, #tpu.memory_space<hbm>>
        %dma_start3A_728 = arith.constant 0 : i32
        %dma_start3A_729 = tpu.memref_slice %dma_start3A_727[%multiple_of3A_718, %dma_start3A_728] : memref<1024x256xf32, #tpu.memory_space<hbm>> -> memref<64x256xf32, #tpu.memory_space<hbm>>
        %dma_start3A_730 = arith.constant 0 : i32
        %dma_start3A_731 = arith.constant 0 : i32
        %dma_start3A_732 = tpu.memref_slice %arg4[%add3A_699, %dma_start3A_730, %dma_start3A_731] : memref<128x1024x256xf32, #tpu.memory_space<hbm>> -> memref<1x1024x256xf32, #tpu.memory_space<hbm>>
        %dma_start3A_733 = tpu.memref_squeeze %dma_start3A_732 : memref<1x1024x256xf32, #tpu.memory_space<hbm>> -> memref<1024x256xf32, #tpu.memory_space<hbm>>
        %dma_start3A_734 = arith.constant 0 : i32
        %dma_start3A_735 = tpu.memref_slice %dma_start3A_733[%multiple_of3A_718, %dma_start3A_734] : memref<1024x256xf32, #tpu.memory_space<hbm>> -> memref<64x256xf32, #tpu.memory_space<hbm>>
        %dma_start3A_736 = arith.constant 0 : i32
        %dma_start3A_737 = arith.constant 0 : i32
        %dma_start3A_738 = tpu.memref_slice %arg6[%dma_start3A_719, %dma_start3A_736, %dma_start3A_737] : memref<4x64x256xf32, #tpu.memory_space<vmem>> -> memref<1x64x256xf32, #tpu.memory_space<vmem>>
        %dma_start3A_739 = tpu.memref_squeeze %dma_start3A_738 : memref<1x64x256xf32, #tpu.memory_space<vmem>> -> memref<64x256xf32, #tpu.memory_space<vmem>>
        tpu.enqueue_dma source(%dma_start3A_739 : memref<64x256xf32, #tpu.memory_space<vmem>>) target(%dma_start3A_735 : memref<64x256xf32, #tpu.memory_space<hbm>>) target_semaphore(%arg14 : memref<!tpu.dma_semaphore, #tpu.memory_space<semaphore_mem>>)
      } else {
      }
      %gt3A_200 = arith.constant 0 : i32
      %gt3A_201 = arith.cmpi sgt, %scan3A_139, %gt3A_200 : i32
      %convert_element_type3A_202 = arith.extui %gt3A_201 : i1 to i32
      %cond3A_203 = arith.constant 0 : i32
      %cond3A_204 = arith.cmpi ne, %convert_element_type3A_202, %cond3A_203 : i32
      scf.if %cond3A_204 {
        %dma_wait3A_656 = arith.constant 1 : i32
        %dma_wait3A_657 = arith.constant 0 : i32
        %dma_wait3A_658 = arith.constant 0 : i32
        %dma_wait3A_659 = arith.constant 0 : i32
        %dma_wait3A_660 = tpu.memref_slice %arg6[%dma_wait3A_656, %dma_wait3A_658, %dma_wait3A_659] : memref<4x64x256xf32, #tpu.memory_space<vmem>> -> memref<1x64x256xf32, #tpu.memory_space<vmem>>
        %dma_wait3A_661 = tpu.memref_squeeze %dma_wait3A_660 : memref<1x64x256xf32, #tpu.memory_space<vmem>> -> memref<64x256xf32, #tpu.memory_space<vmem>>
        %dma_wait3A_662 = arith.constant 0 : i32
        %dma_wait3A_663 = arith.constant 0 : i32
        %dma_wait3A_664 = tpu.memref_slice %arg4[%dma_wait3A_657, %dma_wait3A_662, %dma_wait3A_663] : memref<128x1024x256xf32, #tpu.memory_space<hbm>> -> memref<1x1024x256xf32, #tpu.memory_space<hbm>>
        %dma_wait3A_665 = tpu.memref_squeeze %dma_wait3A_664 : memref<1x1024x256xf32, #tpu.memory_space<hbm>> -> memref<1024x256xf32, #tpu.memory_space<hbm>>
        %dma_wait3A_666 = arith.constant 0 : i32
        %dma_wait3A_667 = arith.constant 0 : i32
        %dma_wait3A_668 = tpu.memref_slice %dma_wait3A_665[%dma_wait3A_666, %dma_wait3A_667] : memref<1024x256xf32, #tpu.memory_space<hbm>> -> memref<64x256xf32, #tpu.memory_space<hbm>>
        %dma_wait3A_669 = arith.constant 0 : i32
        %dma_wait3A_670 = arith.constant 0 : i32
        %dma_wait3A_671 = tpu.memref_slice %arg4[%dma_wait3A_657, %dma_wait3A_669, %dma_wait3A_670] : memref<128x1024x256xf32, #tpu.memory_space<hbm>> -> memref<1x1024x256xf32, #tpu.memory_space<hbm>>
        %dma_wait3A_672 = tpu.memref_squeeze %dma_wait3A_671 : memref<1x1024x256xf32, #tpu.memory_space<hbm>> -> memref<1024x256xf32, #tpu.memory_space<hbm>>
        %dma_wait3A_673 = arith.constant 0 : i32
        %dma_wait3A_674 = arith.constant 0 : i32
        %dma_wait3A_675 = tpu.memref_slice %dma_wait3A_672[%dma_wait3A_673, %dma_wait3A_674] : memref<1024x256xf32, #tpu.memory_space<hbm>> -> memref<64x256xf32, #tpu.memory_space<hbm>>
        %dma_wait3A_676 = arith.constant 0 : i32
        %dma_wait3A_677 = arith.constant 0 : i32
        %dma_wait3A_678 = tpu.memref_slice %arg6[%dma_wait3A_656, %dma_wait3A_676, %dma_wait3A_677] : memref<4x64x256xf32, #tpu.memory_space<vmem>> -> memref<1x64x256xf32, #tpu.memory_space<vmem>>
        %dma_wait3A_679 = tpu.memref_squeeze %dma_wait3A_678 : memref<1x64x256xf32, #tpu.memory_space<vmem>> -> memref<64x256xf32, #tpu.memory_space<vmem>>
        tpu.wait_dma2 semaphore(%arg12 : memref<!tpu.dma_semaphore, #tpu.memory_space<semaphore_mem>>) src(%dma_wait3A_679 : memref<64x256xf32, #tpu.memory_space<vmem>>) dst(%dma_wait3A_675 : memref<64x256xf32, #tpu.memory_space<hbm>>)
      } else {
      }
      %add3A_205 = arith.constant 1 : i32
      %add3A_206 = arith.addi %mul3A_141, %add3A_205 : i32
      %jit3A_207 = arith.constant 16 : i32
      %div3A_208 = arith.divsi %add3A_206, %jit3A_207 : i32
      %sign3A_209 = arith.constant 0 : i32
      %sign3A_210 = arith.cmpi sgt, %add3A_206, %sign3A_209 : i32
      %sign3A_211 = arith.extui %sign3A_210 : i1 to i32
      %sign3A_212 = arith.constant 0 : i32
      %sign3A_213 = arith.cmpi slt, %add3A_206, %sign3A_212 : i32
      %sign3A_214 = arith.extui %sign3A_213 : i1 to i32
      %sign3A_215 = arith.subi %sign3A_211, %sign3A_214 : i32
      %sign3A_216 = arith.constant 0 : i32
      %sign3A_217 = arith.cmpi sgt, %jit3A_207, %sign3A_216 : i32
      %sign3A_218 = arith.extui %sign3A_217 : i1 to i32
      %sign3A_219 = arith.constant 0 : i32
      %sign3A_220 = arith.cmpi slt, %jit3A_207, %sign3A_219 : i32
      %sign3A_221 = arith.extui %sign3A_220 : i1 to i32
      %sign3A_222 = arith.subi %sign3A_218, %sign3A_221 : i32
      %ne3A_223 = arith.cmpi ne, %sign3A_215, %sign3A_222 : i32
      %rem3A_224 = arith.remsi %add3A_206, %jit3A_207 : i32
      %ne3A_225 = arith.constant 0 : i32
      %ne3A_226 = arith.cmpi ne, %rem3A_224, %ne3A_225 : i32
      %and3A_227 = arith.andi %ne3A_223, %ne3A_226 : i1
      %sub3A_228 = arith.constant 1 : i32
      %sub3A_229 = arith.subi %div3A_208, %sub3A_228 : i32
      %select_n3A_230 = arith.select %and3A_227, %sub3A_229, %div3A_208 : i32
      %mul3A_231 = arith.constant 32 : i32
      %mul3A_232 = arith.muli %select_n3A_230, %mul3A_231 : i32
      %add3A_233 = arith.addi %add3A, %mul3A_232 : i32
      %jit3A_234 = arith.constant 16 : i32
      %eq3A_235 = arith.constant 0 : i32
      %eq3A_236 = arith.cmpi eq, %jit3A_234, %eq3A_235 : i32
      %jit3A_237 = arith.constant 1 : i32
      %select_n3A_238 = arith.select %eq3A_236, %jit3A_237, %jit3A_234 : i32
      %rem3A_239 = arith.remsi %add3A_206, %select_n3A_238 : i32
      %ne3A_240 = arith.constant 0 : i32
      %ne3A_241 = arith.cmpi ne, %rem3A_239, %ne3A_240 : i32
      %lt3A_242 = arith.constant 0 : i32
      %lt3A_243 = arith.cmpi slt, %rem3A_239, %lt3A_242 : i32
      %lt3A_244 = arith.constant 0 : i32
      %lt3A_245 = arith.cmpi slt, %select_n3A_238, %lt3A_244 : i32
      %ne3A_246 = arith.xori %lt3A_243, %lt3A_245 : i1
      %and3A_247 = arith.andi %ne3A_246, %ne3A_241 : i1
      %add3A_248 = arith.addi %rem3A_239, %select_n3A_238 : i32
      %select_n3A_249 = arith.select %and3A_247, %add3A_248, %rem3A_239 : i32
      %mul3A_250 = arith.constant 64 : i32
      %mul3A_251 = arith.muli %select_n3A_249, %mul3A_250 : i32
      %multiple_of3A_252 = tpu.assume_multiple %mul3A_251, 64 : i32
      %dma_start3A_253 = arith.constant 1 : i32
      %dma_start3A_254 = arith.constant 0 : i32
      %dma_start3A_255 = arith.constant 0 : i32
      %dma_start3A_256 = tpu.memref_slice %arg6[%dma_start3A_253, %dma_start3A_254, %dma_start3A_255] : memref<4x64x256xf32, #tpu.memory_space<vmem>> -> memref<1x64x256xf32, #tpu.memory_space<vmem>>
      %dma_start3A_257 = tpu.memref_squeeze %dma_start3A_256 : memref<1x64x256xf32, #tpu.memory_space<vmem>> -> memref<64x256xf32, #tpu.memory_space<vmem>>
      %dma_start3A_258 = tpu.memref_slice %arg5[%multiple_of3A_252] : memref<1024xi32, #tpu.memory_space<vmem>> -> memref<64xi32, #tpu.memory_space<vmem>>
      %dma_start3A_259 = arith.constant 0 : i32
      %dma_start3A_260 = arith.constant 0 : i32
      %dma_start3A_261 = tpu.memref_slice %arg2[%add3A_233, %dma_start3A_259, %dma_start3A_260] : memref<128x1024x256xf32, #tpu.memory_space<hbm>> -> memref<1x1024x256xf32, #tpu.memory_space<hbm>>
      %dma_start3A_262 = tpu.memref_squeeze %dma_start3A_261 : memref<1x1024x256xf32, #tpu.memory_space<hbm>> -> memref<1024x256xf32, #tpu.memory_space<hbm>>
      %dma_start3A_263 = arith.constant 0 : i32
      %dma_start3A_264 = arith.constant 0 : i32
      %dma_start3A_265 = tpu.memref_slice %dma_start3A_262[%dma_start3A_263, %dma_start3A_264] : memref<1024x256xf32, #tpu.memory_space<hbm>> -> memref<1024x256xf32, #tpu.memory_space<hbm>>
      tpu.enqueue_indirect_dma source(%dma_start3A_265 : memref<1024x256xf32, #tpu.memory_space<hbm>>) target(%dma_start3A_257 : memref<64x256xf32, #tpu.memory_space<vmem>>) offsets(%dma_start3A_258 : memref<64xi32, #tpu.memory_space<vmem>>) semaphore(%arg8 : memref<!tpu.dma_semaphore, #tpu.memory_space<semaphore_mem>>)
      %dma_wait3A_266 = arith.constant 0 : i32
      %dma_wait3A_267 = arith.constant 0 : i32
      %dma_wait3A_268 = arith.constant 0 : i32
      %dma_wait3A_269 = arith.constant 0 : i32
      %dma_wait3A_270 = tpu.memref_slice %arg6[%dma_wait3A_267, %dma_wait3A_268, %dma_wait3A_269] : memref<4x64x256xf32, #tpu.memory_space<vmem>> -> memref<1x64x256xf32, #tpu.memory_space<vmem>>
      %dma_wait3A_271 = tpu.memref_squeeze %dma_wait3A_270 : memref<1x64x256xf32, #tpu.memory_space<vmem>> -> memref<64x256xf32, #tpu.memory_space<vmem>>
      %dma_wait3A_272 = arith.constant 0 : i32
      %dma_wait3A_273 = tpu.memref_slice %arg5[%dma_wait3A_272] : memref<1024xi32, #tpu.memory_space<vmem>> -> memref<64xi32, #tpu.memory_space<vmem>>
      %dma_wait3A_274 = arith.constant 0 : i32
      %dma_wait3A_275 = arith.constant 0 : i32
      %dma_wait3A_276 = tpu.memref_slice %arg2[%dma_wait3A_266, %dma_wait3A_274, %dma_wait3A_275] : memref<128x1024x256xf32, #tpu.memory_space<hbm>> -> memref<1x1024x256xf32, #tpu.memory_space<hbm>>
      %dma_wait3A_277 = tpu.memref_squeeze %dma_wait3A_276 : memref<1x1024x256xf32, #tpu.memory_space<hbm>> -> memref<1024x256xf32, #tpu.memory_space<hbm>>
      %dma_wait3A_278 = arith.constant 0 : i32
      %dma_wait3A_279 = arith.constant 0 : i32
      %dma_wait3A_280 = tpu.memref_slice %dma_wait3A_277[%dma_wait3A_278, %dma_wait3A_279] : memref<1024x256xf32, #tpu.memory_space<hbm>> -> memref<1024x256xf32, #tpu.memory_space<hbm>>
      tpu.wait_indirect_dma semaphore(%arg7 : memref<!tpu.dma_semaphore, #tpu.memory_space<semaphore_mem>>) src(%dma_wait3A_280 : memref<1024x256xf32, #tpu.memory_space<hbm>>) dst(%dma_wait3A_271 : memref<64x256xf32, #tpu.memory_space<vmem>>)
      %add3A_281 = arith.constant 1 : i32
      %add3A_282 = arith.addi %mul3A_141, %add3A_281 : i32
      %sub3A_283 = arith.constant 1 : i32
      %sub3A_284 = arith.subi %add3A_282, %sub3A_283 : i32
      %jit3A_285 = arith.constant 16 : i32
      %div3A_286 = arith.divsi %sub3A_284, %jit3A_285 : i32
      %sign3A_287 = arith.constant 0 : i32
      %sign3A_288 = arith.cmpi sgt, %sub3A_284, %sign3A_287 : i32
      %sign3A_289 = arith.extui %sign3A_288 : i1 to i32
      %sign3A_290 = arith.constant 0 : i32
      %sign3A_291 = arith.cmpi slt, %sub3A_284, %sign3A_290 : i32
      %sign3A_292 = arith.extui %sign3A_291 : i1 to i32
      %sign3A_293 = arith.subi %sign3A_289, %sign3A_292 : i32
      %sign3A_294 = arith.constant 0 : i32
      %sign3A_295 = arith.cmpi sgt, %jit3A_285, %sign3A_294 : i32
      %sign3A_296 = arith.extui %sign3A_295 : i1 to i32
      %sign3A_297 = arith.constant 0 : i32
      %sign3A_298 = arith.cmpi slt, %jit3A_285, %sign3A_297 : i32
      %sign3A_299 = arith.extui %sign3A_298 : i1 to i32
      %sign3A_300 = arith.subi %sign3A_296, %sign3A_299 : i32
      %ne3A_301 = arith.cmpi ne, %sign3A_293, %sign3A_300 : i32
      %rem3A_302 = arith.remsi %sub3A_284, %jit3A_285 : i32
      %ne3A_303 = arith.constant 0 : i32
      %ne3A_304 = arith.cmpi ne, %rem3A_302, %ne3A_303 : i32
      %and3A_305 = arith.andi %ne3A_301, %ne3A_304 : i1
      %sub3A_306 = arith.constant 1 : i32
      %sub3A_307 = arith.subi %div3A_286, %sub3A_306 : i32
      %select_n3A_308 = arith.select %and3A_305, %sub3A_307, %div3A_286 : i32
      %mul3A_309 = arith.constant 32 : i32
      %mul3A_310 = arith.muli %select_n3A_308, %mul3A_309 : i32
      %add3A_311 = arith.addi %add3A, %mul3A_310 : i32
      %jit3A_312 = arith.constant 16 : i32
      %eq3A_313 = arith.constant 0 : i32
      %eq3A_314 = arith.cmpi eq, %jit3A_312, %eq3A_313 : i32
      %jit3A_315 = arith.constant 1 : i32
      %select_n3A_316 = arith.select %eq3A_314, %jit3A_315, %jit3A_312 : i32
      %rem3A_317 = arith.remsi %sub3A_284, %select_n3A_316 : i32
      %ne3A_318 = arith.constant 0 : i32
      %ne3A_319 = arith.cmpi ne, %rem3A_317, %ne3A_318 : i32
      %lt3A_320 = arith.constant 0 : i32
      %lt3A_321 = arith.cmpi slt, %rem3A_317, %lt3A_320 : i32
      %lt3A_322 = arith.constant 0 : i32
      %lt3A_323 = arith.cmpi slt, %select_n3A_316, %lt3A_322 : i32
      %ne3A_324 = arith.xori %lt3A_321, %lt3A_323 : i1
      %and3A_325 = arith.andi %ne3A_324, %ne3A_319 : i1
      %add3A_326 = arith.addi %rem3A_317, %select_n3A_316 : i32
      %select_n3A_327 = arith.select %and3A_325, %add3A_326, %rem3A_317 : i32
      %mul3A_328 = arith.constant 64 : i32
      %mul3A_329 = arith.muli %select_n3A_327, %mul3A_328 : i32
      %multiple_of3A_330 = tpu.assume_multiple %mul3A_329, 64 : i32
      %dma_start3A_331 = arith.constant 0 : i32
      %dma_start3A_332 = arith.constant 0 : i32
      %dma_start3A_333 = arith.constant 0 : i32
      %dma_start3A_334 = tpu.memref_slice %arg6[%dma_start3A_331, %dma_start3A_332, %dma_start3A_333] : memref<4x64x256xf32, #tpu.memory_space<vmem>> -> memref<1x64x256xf32, #tpu.memory_space<vmem>>
      %dma_start3A_335 = tpu.memref_squeeze %dma_start3A_334 : memref<1x64x256xf32, #tpu.memory_space<vmem>> -> memref<64x256xf32, #tpu.memory_space<vmem>>
      %dma_start3A_336 = arith.constant 0 : i32
      %dma_start3A_337 = arith.constant 0 : i32
      %dma_start3A_338 = tpu.memref_slice %arg4[%add3A_311, %dma_start3A_336, %dma_start3A_337] : memref<128x1024x256xf32, #tpu.memory_space<hbm>> -> memref<1x1024x256xf32, #tpu.memory_space<hbm>>
      %dma_start3A_339 = tpu.memref_squeeze %dma_start3A_338 : memref<1x1024x256xf32, #tpu.memory_space<hbm>> -> memref<1024x256xf32, #tpu.memory_space<hbm>>
      %dma_start3A_340 = arith.constant 0 : i32
      %dma_start3A_341 = tpu.memref_slice %dma_start3A_339[%multiple_of3A_330, %dma_start3A_340] : memref<1024x256xf32, #tpu.memory_space<hbm>> -> memref<64x256xf32, #tpu.memory_space<hbm>>
      %dma_start3A_342 = arith.constant 0 : i32
      %dma_start3A_343 = arith.constant 0 : i32
      %dma_start3A_344 = tpu.memref_slice %arg4[%add3A_311, %dma_start3A_342, %dma_start3A_343] : memref<128x1024x256xf32, #tpu.memory_space<hbm>> -> memref<1x1024x256xf32, #tpu.memory_space<hbm>>
      %dma_start3A_345 = tpu.memref_squeeze %dma_start3A_344 : memref<1x1024x256xf32, #tpu.memory_space<hbm>> -> memref<1024x256xf32, #tpu.memory_space<hbm>>
      %dma_start3A_346 = arith.constant 0 : i32
      %dma_start3A_347 = tpu.memref_slice %dma_start3A_345[%multiple_of3A_330, %dma_start3A_346] : memref<1024x256xf32, #tpu.memory_space<hbm>> -> memref<64x256xf32, #tpu.memory_space<hbm>>
      %dma_start3A_348 = arith.constant 0 : i32
      %dma_start3A_349 = arith.constant 0 : i32
      %dma_start3A_350 = tpu.memref_slice %arg6[%dma_start3A_331, %dma_start3A_348, %dma_start3A_349] : memref<4x64x256xf32, #tpu.memory_space<vmem>> -> memref<1x64x256xf32, #tpu.memory_space<vmem>>
      %dma_start3A_351 = tpu.memref_squeeze %dma_start3A_350 : memref<1x64x256xf32, #tpu.memory_space<vmem>> -> memref<64x256xf32, #tpu.memory_space<vmem>>
      tpu.enqueue_dma source(%dma_start3A_351 : memref<64x256xf32, #tpu.memory_space<vmem>>) target(%dma_start3A_347 : memref<64x256xf32, #tpu.memory_space<hbm>>) target_semaphore(%arg11 : memref<!tpu.dma_semaphore, #tpu.memory_space<semaphore_mem>>)
      %gt3A_352 = arith.constant 0 : i32
      %gt3A_353 = arith.cmpi sgt, %scan3A_139, %gt3A_352 : i32
      %convert_element_type3A_354 = arith.extui %gt3A_353 : i1 to i32
      %cond3A_355 = arith.constant 0 : i32
      %cond3A_356 = arith.cmpi ne, %convert_element_type3A_354, %cond3A_355 : i32
      scf.if %cond3A_356 {
        %dma_wait3A_656 = arith.constant 2 : i32
        %dma_wait3A_657 = arith.constant 0 : i32
        %dma_wait3A_658 = arith.constant 0 : i32
        %dma_wait3A_659 = arith.constant 0 : i32
        %dma_wait3A_660 = tpu.memref_slice %arg6[%dma_wait3A_656, %dma_wait3A_658, %dma_wait3A_659] : memref<4x64x256xf32, #tpu.memory_space<vmem>> -> memref<1x64x256xf32, #tpu.memory_space<vmem>>
        %dma_wait3A_661 = tpu.memref_squeeze %dma_wait3A_660 : memref<1x64x256xf32, #tpu.memory_space<vmem>> -> memref<64x256xf32, #tpu.memory_space<vmem>>
        %dma_wait3A_662 = arith.constant 0 : i32
        %dma_wait3A_663 = arith.constant 0 : i32
        %dma_wait3A_664 = tpu.memref_slice %arg4[%dma_wait3A_657, %dma_wait3A_662, %dma_wait3A_663] : memref<128x1024x256xf32, #tpu.memory_space<hbm>> -> memref<1x1024x256xf32, #tpu.memory_space<hbm>>
        %dma_wait3A_665 = tpu.memref_squeeze %dma_wait3A_664 : memref<1x1024x256xf32, #tpu.memory_space<hbm>> -> memref<1024x256xf32, #tpu.memory_space<hbm>>
        %dma_wait3A_666 = arith.constant 0 : i32
        %dma_wait3A_667 = arith.constant 0 : i32
        %dma_wait3A_668 = tpu.memref_slice %dma_wait3A_665[%dma_wait3A_666, %dma_wait3A_667] : memref<1024x256xf32, #tpu.memory_space<hbm>> -> memref<64x256xf32, #tpu.memory_space<hbm>>
        %dma_wait3A_669 = arith.constant 0 : i32
        %dma_wait3A_670 = arith.constant 0 : i32
        %dma_wait3A_671 = tpu.memref_slice %arg4[%dma_wait3A_657, %dma_wait3A_669, %dma_wait3A_670] : memref<128x1024x256xf32, #tpu.memory_space<hbm>> -> memref<1x1024x256xf32, #tpu.memory_space<hbm>>
        %dma_wait3A_672 = tpu.memref_squeeze %dma_wait3A_671 : memref<1x1024x256xf32, #tpu.memory_space<hbm>> -> memref<1024x256xf32, #tpu.memory_space<hbm>>
        %dma_wait3A_673 = arith.constant 0 : i32
        %dma_wait3A_674 = arith.constant 0 : i32
        %dma_wait3A_675 = tpu.memref_slice %dma_wait3A_672[%dma_wait3A_673, %dma_wait3A_674] : memref<1024x256xf32, #tpu.memory_space<hbm>> -> memref<64x256xf32, #tpu.memory_space<hbm>>
        %dma_wait3A_676 = arith.constant 0 : i32
        %dma_wait3A_677 = arith.constant 0 : i32
        %dma_wait3A_678 = tpu.memref_slice %arg6[%dma_wait3A_656, %dma_wait3A_676, %dma_wait3A_677] : memref<4x64x256xf32, #tpu.memory_space<vmem>> -> memref<1x64x256xf32, #tpu.memory_space<vmem>>
        %dma_wait3A_679 = tpu.memref_squeeze %dma_wait3A_678 : memref<1x64x256xf32, #tpu.memory_space<vmem>> -> memref<64x256xf32, #tpu.memory_space<vmem>>
        tpu.wait_dma2 semaphore(%arg13 : memref<!tpu.dma_semaphore, #tpu.memory_space<semaphore_mem>>) src(%dma_wait3A_679 : memref<64x256xf32, #tpu.memory_space<vmem>>) dst(%dma_wait3A_675 : memref<64x256xf32, #tpu.memory_space<hbm>>)
      } else {
      }
      %add3A_357 = arith.constant 2 : i32
      %add3A_358 = arith.addi %mul3A_141, %add3A_357 : i32
      %jit3A_359 = arith.constant 16 : i32
      %div3A_360 = arith.divsi %add3A_358, %jit3A_359 : i32
      %sign3A_361 = arith.constant 0 : i32
      %sign3A_362 = arith.cmpi sgt, %add3A_358, %sign3A_361 : i32
      %sign3A_363 = arith.extui %sign3A_362 : i1 to i32
      %sign3A_364 = arith.constant 0 : i32
      %sign3A_365 = arith.cmpi slt, %add3A_358, %sign3A_364 : i32
      %sign3A_366 = arith.extui %sign3A_365 : i1 to i32
      %sign3A_367 = arith.subi %sign3A_363, %sign3A_366 : i32
      %sign3A_368 = arith.constant 0 : i32
      %sign3A_369 = arith.cmpi sgt, %jit3A_359, %sign3A_368 : i32
      %sign3A_370 = arith.extui %sign3A_369 : i1 to i32
      %sign3A_371 = arith.constant 0 : i32
      %sign3A_372 = arith.cmpi slt, %jit3A_359, %sign3A_371 : i32
      %sign3A_373 = arith.extui %sign3A_372 : i1 to i32
      %sign3A_374 = arith.subi %sign3A_370, %sign3A_373 : i32
      %ne3A_375 = arith.cmpi ne, %sign3A_367, %sign3A_374 : i32
      %rem3A_376 = arith.remsi %add3A_358, %jit3A_359 : i32
      %ne3A_377 = arith.constant 0 : i32
      %ne3A_378 = arith.cmpi ne, %rem3A_376, %ne3A_377 : i32
      %and3A_379 = arith.andi %ne3A_375, %ne3A_378 : i1
      %sub3A_380 = arith.constant 1 : i32
      %sub3A_381 = arith.subi %div3A_360, %sub3A_380 : i32
      %select_n3A_382 = arith.select %and3A_379, %sub3A_381, %div3A_360 : i32
      %mul3A_383 = arith.constant 32 : i32
      %mul3A_384 = arith.muli %select_n3A_382, %mul3A_383 : i32
      %add3A_385 = arith.addi %add3A, %mul3A_384 : i32
      %jit3A_386 = arith.constant 16 : i32
      %eq3A_387 = arith.constant 0 : i32
      %eq3A_388 = arith.cmpi eq, %jit3A_386, %eq3A_387 : i32
      %jit3A_389 = arith.constant 1 : i32
      %select_n3A_390 = arith.select %eq3A_388, %jit3A_389, %jit3A_386 : i32
      %rem3A_391 = arith.remsi %add3A_358, %select_n3A_390 : i32
      %ne3A_392 = arith.constant 0 : i32
      %ne3A_393 = arith.cmpi ne, %rem3A_391, %ne3A_392 : i32
      %lt3A_394 = arith.constant 0 : i32
      %lt3A_395 = arith.cmpi slt, %rem3A_391, %lt3A_394 : i32
      %lt3A_396 = arith.constant 0 : i32
      %lt3A_397 = arith.cmpi slt, %select_n3A_390, %lt3A_396 : i32
      %ne3A_398 = arith.xori %lt3A_395, %lt3A_397 : i1
      %and3A_399 = arith.andi %ne3A_398, %ne3A_393 : i1
      %add3A_400 = arith.addi %rem3A_391, %select_n3A_390 : i32
      %select_n3A_401 = arith.select %and3A_399, %add3A_400, %rem3A_391 : i32
      %mul3A_402 = arith.constant 64 : i32
      %mul3A_403 = arith.muli %select_n3A_401, %mul3A_402 : i32
      %multiple_of3A_404 = tpu.assume_multiple %mul3A_403, 64 : i32
      %dma_start3A_405 = arith.constant 2 : i32
      %dma_start3A_406 = arith.constant 0 : i32
      %dma_start3A_407 = arith.constant 0 : i32
      %dma_start3A_408 = tpu.memref_slice %arg6[%dma_start3A_405, %dma_start3A_406, %dma_start3A_407] : memref<4x64x256xf32, #tpu.memory_space<vmem>> -> memref<1x64x256xf32, #tpu.memory_space<vmem>>
      %dma_start3A_409 = tpu.memref_squeeze %dma_start3A_408 : memref<1x64x256xf32, #tpu.memory_space<vmem>> -> memref<64x256xf32, #tpu.memory_space<vmem>>
      %dma_start3A_410 = tpu.memref_slice %arg5[%multiple_of3A_404] : memref<1024xi32, #tpu.memory_space<vmem>> -> memref<64xi32, #tpu.memory_space<vmem>>
      %dma_start3A_411 = arith.constant 0 : i32
      %dma_start3A_412 = arith.constant 0 : i32
      %dma_start3A_413 = tpu.memref_slice %arg2[%add3A_385, %dma_start3A_411, %dma_start3A_412] : memref<128x1024x256xf32, #tpu.memory_space<hbm>> -> memref<1x1024x256xf32, #tpu.memory_space<hbm>>
      %dma_start3A_414 = tpu.memref_squeeze %dma_start3A_413 : memref<1x1024x256xf32, #tpu.memory_space<hbm>> -> memref<1024x256xf32, #tpu.memory_space<hbm>>
      %dma_start3A_415 = arith.constant 0 : i32
      %dma_start3A_416 = arith.constant 0 : i32
      %dma_start3A_417 = tpu.memref_slice %dma_start3A_414[%dma_start3A_415, %dma_start3A_416] : memref<1024x256xf32, #tpu.memory_space<hbm>> -> memref<1024x256xf32, #tpu.memory_space<hbm>>
      tpu.enqueue_indirect_dma source(%dma_start3A_417 : memref<1024x256xf32, #tpu.memory_space<hbm>>) target(%dma_start3A_409 : memref<64x256xf32, #tpu.memory_space<vmem>>) offsets(%dma_start3A_410 : memref<64xi32, #tpu.memory_space<vmem>>) semaphore(%arg9 : memref<!tpu.dma_semaphore, #tpu.memory_space<semaphore_mem>>)
      %dma_wait3A_418 = arith.constant 0 : i32
      %dma_wait3A_419 = arith.constant 1 : i32
      %dma_wait3A_420 = arith.constant 0 : i32
      %dma_wait3A_421 = arith.constant 0 : i32
      %dma_wait3A_422 = tpu.memref_slice %arg6[%dma_wait3A_419, %dma_wait3A_420, %dma_wait3A_421] : memref<4x64x256xf32, #tpu.memory_space<vmem>> -> memref<1x64x256xf32, #tpu.memory_space<vmem>>
      %dma_wait3A_423 = tpu.memref_squeeze %dma_wait3A_422 : memref<1x64x256xf32, #tpu.memory_space<vmem>> -> memref<64x256xf32, #tpu.memory_space<vmem>>
      %dma_wait3A_424 = arith.constant 0 : i32
      %dma_wait3A_425 = tpu.memref_slice %arg5[%dma_wait3A_424] : memref<1024xi32, #tpu.memory_space<vmem>> -> memref<64xi32, #tpu.memory_space<vmem>>
      %dma_wait3A_426 = arith.constant 0 : i32
      %dma_wait3A_427 = arith.constant 0 : i32
      %dma_wait3A_428 = tpu.memref_slice %arg2[%dma_wait3A_418, %dma_wait3A_426, %dma_wait3A_427] : memref<128x1024x256xf32, #tpu.memory_space<hbm>> -> memref<1x1024x256xf32, #tpu.memory_space<hbm>>
      %dma_wait3A_429 = tpu.memref_squeeze %dma_wait3A_428 : memref<1x1024x256xf32, #tpu.memory_space<hbm>> -> memref<1024x256xf32, #tpu.memory_space<hbm>>
      %dma_wait3A_430 = arith.constant 0 : i32
      %dma_wait3A_431 = arith.constant 0 : i32
      %dma_wait3A_432 = tpu.memref_slice %dma_wait3A_429[%dma_wait3A_430, %dma_wait3A_431] : memref<1024x256xf32, #tpu.memory_space<hbm>> -> memref<1024x256xf32, #tpu.memory_space<hbm>>
      tpu.wait_indirect_dma semaphore(%arg8 : memref<!tpu.dma_semaphore, #tpu.memory_space<semaphore_mem>>) src(%dma_wait3A_432 : memref<1024x256xf32, #tpu.memory_space<hbm>>) dst(%dma_wait3A_423 : memref<64x256xf32, #tpu.memory_space<vmem>>)
      %add3A_433 = arith.constant 2 : i32
      %add3A_434 = arith.addi %mul3A_141, %add3A_433 : i32
      %sub3A_435 = arith.constant 1 : i32
      %sub3A_436 = arith.subi %add3A_434, %sub3A_435 : i32
      %jit3A_437 = arith.constant 16 : i32
      %div3A_438 = arith.divsi %sub3A_436, %jit3A_437 : i32
      %sign3A_439 = arith.constant 0 : i32
      %sign3A_440 = arith.cmpi sgt, %sub3A_436, %sign3A_439 : i32
      %sign3A_441 = arith.extui %sign3A_440 : i1 to i32
      %sign3A_442 = arith.constant 0 : i32
      %sign3A_443 = arith.cmpi slt, %sub3A_436, %sign3A_442 : i32
      %sign3A_444 = arith.extui %sign3A_443 : i1 to i32
      %sign3A_445 = arith.subi %sign3A_441, %sign3A_444 : i32
      %sign3A_446 = arith.constant 0 : i32
      %sign3A_447 = arith.cmpi sgt, %jit3A_437, %sign3A_446 : i32
      %sign3A_448 = arith.extui %sign3A_447 : i1 to i32
      %sign3A_449 = arith.constant 0 : i32
      %sign3A_450 = arith.cmpi slt, %jit3A_437, %sign3A_449 : i32
      %sign3A_451 = arith.extui %sign3A_450 : i1 to i32
      %sign3A_452 = arith.subi %sign3A_448, %sign3A_451 : i32
      %ne3A_453 = arith.cmpi ne, %sign3A_445, %sign3A_452 : i32
      %rem3A_454 = arith.remsi %sub3A_436, %jit3A_437 : i32
      %ne3A_455 = arith.constant 0 : i32
      %ne3A_456 = arith.cmpi ne, %rem3A_454, %ne3A_455 : i32
      %and3A_457 = arith.andi %ne3A_453, %ne3A_456 : i1
      %sub3A_458 = arith.constant 1 : i32
      %sub3A_459 = arith.subi %div3A_438, %sub3A_458 : i32
      %select_n3A_460 = arith.select %and3A_457, %sub3A_459, %div3A_438 : i32
      %mul3A_461 = arith.constant 32 : i32
      %mul3A_462 = arith.muli %select_n3A_460, %mul3A_461 : i32
      %add3A_463 = arith.addi %add3A, %mul3A_462 : i32
      %jit3A_464 = arith.constant 16 : i32
      %eq3A_465 = arith.constant 0 : i32
      %eq3A_466 = arith.cmpi eq, %jit3A_464, %eq3A_465 : i32
      %jit3A_467 = arith.constant 1 : i32
      %select_n3A_468 = arith.select %eq3A_466, %jit3A_467, %jit3A_464 : i32
      %rem3A_469 = arith.remsi %sub3A_436, %select_n3A_468 : i32
      %ne3A_470 = arith.constant 0 : i32
      %ne3A_471 = arith.cmpi ne, %rem3A_469, %ne3A_470 : i32
      %lt3A_472 = arith.constant 0 : i32
      %lt3A_473 = arith.cmpi slt, %rem3A_469, %lt3A_472 : i32
      %lt3A_474 = arith.constant 0 : i32
      %lt3A_475 = arith.cmpi slt, %select_n3A_468, %lt3A_474 : i32
      %ne3A_476 = arith.xori %lt3A_473, %lt3A_475 : i1
      %and3A_477 = arith.andi %ne3A_476, %ne3A_471 : i1
      %add3A_478 = arith.addi %rem3A_469, %select_n3A_468 : i32
      %select_n3A_479 = arith.select %and3A_477, %add3A_478, %rem3A_469 : i32
      %mul3A_480 = arith.constant 64 : i32
      %mul3A_481 = arith.muli %select_n3A_479, %mul3A_480 : i32
      %multiple_of3A_482 = tpu.assume_multiple %mul3A_481, 64 : i32
      %dma_start3A_483 = arith.constant 1 : i32
      %dma_start3A_484 = arith.constant 0 : i32
      %dma_start3A_485 = arith.constant 0 : i32
      %dma_start3A_486 = tpu.memref_slice %arg6[%dma_start3A_483, %dma_start3A_484, %dma_start3A_485] : memref<4x64x256xf32, #tpu.memory_space<vmem>> -> memref<1x64x256xf32, #tpu.memory_space<vmem>>
      %dma_start3A_487 = tpu.memref_squeeze %dma_start3A_486 : memref<1x64x256xf32, #tpu.memory_space<vmem>> -> memref<64x256xf32, #tpu.memory_space<vmem>>
      %dma_start3A_488 = arith.constant 0 : i32
      %dma_start3A_489 = arith.constant 0 : i32
      %dma_start3A_490 = tpu.memref_slice %arg4[%add3A_463, %dma_start3A_488, %dma_start3A_489] : memref<128x1024x256xf32, #tpu.memory_space<hbm>> -> memref<1x1024x256xf32, #tpu.memory_space<hbm>>
      %dma_start3A_491 = tpu.memref_squeeze %dma_start3A_490 : memref<1x1024x256xf32, #tpu.memory_space<hbm>> -> memref<1024x256xf32, #tpu.memory_space<hbm>>
      %dma_start3A_492 = arith.constant 0 : i32
      %dma_start3A_493 = tpu.memref_slice %dma_start3A_491[%multiple_of3A_482, %dma_start3A_492] : memref<1024x256xf32, #tpu.memory_space<hbm>> -> memref<64x256xf32, #tpu.memory_space<hbm>>
      %dma_start3A_494 = arith.constant 0 : i32
      %dma_start3A_495 = arith.constant 0 : i32
      %dma_start3A_496 = tpu.memref_slice %arg4[%add3A_463, %dma_start3A_494, %dma_start3A_495] : memref<128x1024x256xf32, #tpu.memory_space<hbm>> -> memref<1x1024x256xf32, #tpu.memory_space<hbm>>
      %dma_start3A_497 = tpu.memref_squeeze %dma_start3A_496 : memref<1x1024x256xf32, #tpu.memory_space<hbm>> -> memref<1024x256xf32, #tpu.memory_space<hbm>>
      %dma_start3A_498 = arith.constant 0 : i32
      %dma_start3A_499 = tpu.memref_slice %dma_start3A_497[%multiple_of3A_482, %dma_start3A_498] : memref<1024x256xf32, #tpu.memory_space<hbm>> -> memref<64x256xf32, #tpu.memory_space<hbm>>
      %dma_start3A_500 = arith.constant 0 : i32
      %dma_start3A_501 = arith.constant 0 : i32
      %dma_start3A_502 = tpu.memref_slice %arg6[%dma_start3A_483, %dma_start3A_500, %dma_start3A_501] : memref<4x64x256xf32, #tpu.memory_space<vmem>> -> memref<1x64x256xf32, #tpu.memory_space<vmem>>
      %dma_start3A_503 = tpu.memref_squeeze %dma_start3A_502 : memref<1x64x256xf32, #tpu.memory_space<vmem>> -> memref<64x256xf32, #tpu.memory_space<vmem>>
      tpu.enqueue_dma source(%dma_start3A_503 : memref<64x256xf32, #tpu.memory_space<vmem>>) target(%dma_start3A_499 : memref<64x256xf32, #tpu.memory_space<hbm>>) target_semaphore(%arg12 : memref<!tpu.dma_semaphore, #tpu.memory_space<semaphore_mem>>)
      %gt3A_504 = arith.constant 0 : i32
      %gt3A_505 = arith.cmpi sgt, %scan3A_139, %gt3A_504 : i32
      %convert_element_type3A_506 = arith.extui %gt3A_505 : i1 to i32
      %cond3A_507 = arith.constant 0 : i32
      %cond3A_508 = arith.cmpi ne, %convert_element_type3A_506, %cond3A_507 : i32
      scf.if %cond3A_508 {
        %dma_wait3A_656 = arith.constant 3 : i32
        %dma_wait3A_657 = arith.constant 0 : i32
        %dma_wait3A_658 = arith.constant 0 : i32
        %dma_wait3A_659 = arith.constant 0 : i32
        %dma_wait3A_660 = tpu.memref_slice %arg6[%dma_wait3A_656, %dma_wait3A_658, %dma_wait3A_659] : memref<4x64x256xf32, #tpu.memory_space<vmem>> -> memref<1x64x256xf32, #tpu.memory_space<vmem>>
        %dma_wait3A_661 = tpu.memref_squeeze %dma_wait3A_660 : memref<1x64x256xf32, #tpu.memory_space<vmem>> -> memref<64x256xf32, #tpu.memory_space<vmem>>
        %dma_wait3A_662 = arith.constant 0 : i32
        %dma_wait3A_663 = arith.constant 0 : i32
        %dma_wait3A_664 = tpu.memref_slice %arg4[%dma_wait3A_657, %dma_wait3A_662, %dma_wait3A_663] : memref<128x1024x256xf32, #tpu.memory_space<hbm>> -> memref<1x1024x256xf32, #tpu.memory_space<hbm>>
        %dma_wait3A_665 = tpu.memref_squeeze %dma_wait3A_664 : memref<1x1024x256xf32, #tpu.memory_space<hbm>> -> memref<1024x256xf32, #tpu.memory_space<hbm>>
        %dma_wait3A_666 = arith.constant 0 : i32
        %dma_wait3A_667 = arith.constant 0 : i32
        %dma_wait3A_668 = tpu.memref_slice %dma_wait3A_665[%dma_wait3A_666, %dma_wait3A_667] : memref<1024x256xf32, #tpu.memory_space<hbm>> -> memref<64x256xf32, #tpu.memory_space<hbm>>
        %dma_wait3A_669 = arith.constant 0 : i32
        %dma_wait3A_670 = arith.constant 0 : i32
        %dma_wait3A_671 = tpu.memref_slice %arg4[%dma_wait3A_657, %dma_wait3A_669, %dma_wait3A_670] : memref<128x1024x256xf32, #tpu.memory_space<hbm>> -> memref<1x1024x256xf32, #tpu.memory_space<hbm>>
        %dma_wait3A_672 = tpu.memref_squeeze %dma_wait3A_671 : memref<1x1024x256xf32, #tpu.memory_space<hbm>> -> memref<1024x256xf32, #tpu.memory_space<hbm>>
        %dma_wait3A_673 = arith.constant 0 : i32
        %dma_wait3A_674 = arith.constant 0 : i32
        %dma_wait3A_675 = tpu.memref_slice %dma_wait3A_672[%dma_wait3A_673, %dma_wait3A_674] : memref<1024x256xf32, #tpu.memory_space<hbm>> -> memref<64x256xf32, #tpu.memory_space<hbm>>
        %dma_wait3A_676 = arith.constant 0 : i32
        %dma_wait3A_677 = arith.constant 0 : i32
        %dma_wait3A_678 = tpu.memref_slice %arg6[%dma_wait3A_656, %dma_wait3A_676, %dma_wait3A_677] : memref<4x64x256xf32, #tpu.memory_space<vmem>> -> memref<1x64x256xf32, #tpu.memory_space<vmem>>
        %dma_wait3A_679 = tpu.memref_squeeze %dma_wait3A_678 : memref<1x64x256xf32, #tpu.memory_space<vmem>> -> memref<64x256xf32, #tpu.memory_space<vmem>>
        tpu.wait_dma2 semaphore(%arg14 : memref<!tpu.dma_semaphore, #tpu.memory_space<semaphore_mem>>) src(%dma_wait3A_679 : memref<64x256xf32, #tpu.memory_space<vmem>>) dst(%dma_wait3A_675 : memref<64x256xf32, #tpu.memory_space<hbm>>)
      } else {
      }
      %add3A_509 = arith.constant 3 : i32
      %add3A_510 = arith.addi %mul3A_141, %add3A_509 : i32
      %jit3A_511 = arith.constant 16 : i32
      %div3A_512 = arith.divsi %add3A_510, %jit3A_511 : i32
      %sign3A_513 = arith.constant 0 : i32
      %sign3A_514 = arith.cmpi sgt, %add3A_510, %sign3A_513 : i32
      %sign3A_515 = arith.extui %sign3A_514 : i1 to i32
      %sign3A_516 = arith.constant 0 : i32
      %sign3A_517 = arith.cmpi slt, %add3A_510, %sign3A_516 : i32
      %sign3A_518 = arith.extui %sign3A_517 : i1 to i32
      %sign3A_519 = arith.subi %sign3A_515, %sign3A_518 : i32
      %sign3A_520 = arith.constant 0 : i32
      %sign3A_521 = arith.cmpi sgt, %jit3A_511, %sign3A_520 : i32
      %sign3A_522 = arith.extui %sign3A_521 : i1 to i32
      %sign3A_523 = arith.constant 0 : i32
      %sign3A_524 = arith.cmpi slt, %jit3A_511, %sign3A_523 : i32
      %sign3A_525 = arith.extui %sign3A_524 : i1 to i32
      %sign3A_526 = arith.subi %sign3A_522, %sign3A_525 : i32
      %ne3A_527 = arith.cmpi ne, %sign3A_519, %sign3A_526 : i32
      %rem3A_528 = arith.remsi %add3A_510, %jit3A_511 : i32
      %ne3A_529 = arith.constant 0 : i32
      %ne3A_530 = arith.cmpi ne, %rem3A_528, %ne3A_529 : i32
      %and3A_531 = arith.andi %ne3A_527, %ne3A_530 : i1
      %sub3A_532 = arith.constant 1 : i32
      %sub3A_533 = arith.subi %div3A_512, %sub3A_532 : i32
      %select_n3A_534 = arith.select %and3A_531, %sub3A_533, %div3A_512 : i32
      %mul3A_535 = arith.constant 32 : i32
      %mul3A_536 = arith.muli %select_n3A_534, %mul3A_535 : i32
      %add3A_537 = arith.addi %add3A, %mul3A_536 : i32
      %jit3A_538 = arith.constant 16 : i32
      %eq3A_539 = arith.constant 0 : i32
      %eq3A_540 = arith.cmpi eq, %jit3A_538, %eq3A_539 : i32
      %jit3A_541 = arith.constant 1 : i32
      %select_n3A_542 = arith.select %eq3A_540, %jit3A_541, %jit3A_538 : i32
      %rem3A_543 = arith.remsi %add3A_510, %select_n3A_542 : i32
      %ne3A_544 = arith.constant 0 : i32
      %ne3A_545 = arith.cmpi ne, %rem3A_543, %ne3A_544 : i32
      %lt3A_546 = arith.constant 0 : i32
      %lt3A_547 = arith.cmpi slt, %rem3A_543, %lt3A_546 : i32
      %lt3A_548 = arith.constant 0 : i32
      %lt3A_549 = arith.cmpi slt, %select_n3A_542, %lt3A_548 : i32
      %ne3A_550 = arith.xori %lt3A_547, %lt3A_549 : i1
      %and3A_551 = arith.andi %ne3A_550, %ne3A_545 : i1
      %add3A_552 = arith.addi %rem3A_543, %select_n3A_542 : i32
      %select_n3A_553 = arith.select %and3A_551, %add3A_552, %rem3A_543 : i32
      %mul3A_554 = arith.constant 64 : i32
      %mul3A_555 = arith.muli %select_n3A_553, %mul3A_554 : i32
      %multiple_of3A_556 = tpu.assume_multiple %mul3A_555, 64 : i32
      %dma_start3A_557 = arith.constant 3 : i32
      %dma_start3A_558 = arith.constant 0 : i32
      %dma_start3A_559 = arith.constant 0 : i32
      %dma_start3A_560 = tpu.memref_slice %arg6[%dma_start3A_557, %dma_start3A_558, %dma_start3A_559] : memref<4x64x256xf32, #tpu.memory_space<vmem>> -> memref<1x64x256xf32, #tpu.memory_space<vmem>>
      %dma_start3A_561 = tpu.memref_squeeze %dma_start3A_560 : memref<1x64x256xf32, #tpu.memory_space<vmem>> -> memref<64x256xf32, #tpu.memory_space<vmem>>
      %dma_start3A_562 = tpu.memref_slice %arg5[%multiple_of3A_556] : memref<1024xi32, #tpu.memory_space<vmem>> -> memref<64xi32, #tpu.memory_space<vmem>>
      %dma_start3A_563 = arith.constant 0 : i32
      %dma_start3A_564 = arith.constant 0 : i32
      %dma_start3A_565 = tpu.memref_slice %arg2[%add3A_537, %dma_start3A_563, %dma_start3A_564] : memref<128x1024x256xf32, #tpu.memory_space<hbm>> -> memref<1x1024x256xf32, #tpu.memory_space<hbm>>
      %dma_start3A_566 = tpu.memref_squeeze %dma_start3A_565 : memref<1x1024x256xf32, #tpu.memory_space<hbm>> -> memref<1024x256xf32, #tpu.memory_space<hbm>>
      %dma_start3A_567 = arith.constant 0 : i32
      %dma_start3A_568 = arith.constant 0 : i32
      %dma_start3A_569 = tpu.memref_slice %dma_start3A_566[%dma_start3A_567, %dma_start3A_568] : memref<1024x256xf32, #tpu.memory_space<hbm>> -> memref<1024x256xf32, #tpu.memory_space<hbm>>
      tpu.enqueue_indirect_dma source(%dma_start3A_569 : memref<1024x256xf32, #tpu.memory_space<hbm>>) target(%dma_start3A_561 : memref<64x256xf32, #tpu.memory_space<vmem>>) offsets(%dma_start3A_562 : memref<64xi32, #tpu.memory_space<vmem>>) semaphore(%arg10 : memref<!tpu.dma_semaphore, #tpu.memory_space<semaphore_mem>>)
      %dma_wait3A_570 = arith.constant 0 : i32
      %dma_wait3A_571 = arith.constant 2 : i32
      %dma_wait3A_572 = arith.constant 0 : i32
      %dma_wait3A_573 = arith.constant 0 : i32
      %dma_wait3A_574 = tpu.memref_slice %arg6[%dma_wait3A_571, %dma_wait3A_572, %dma_wait3A_573] : memref<4x64x256xf32, #tpu.memory_space<vmem>> -> memref<1x64x256xf32, #tpu.memory_space<vmem>>
      %dma_wait3A_575 = tpu.memref_squeeze %dma_wait3A_574 : memref<1x64x256xf32, #tpu.memory_space<vmem>> -> memref<64x256xf32, #tpu.memory_space<vmem>>
      %dma_wait3A_576 = arith.constant 0 : i32
      %dma_wait3A_577 = tpu.memref_slice %arg5[%dma_wait3A_576] : memref<1024xi32, #tpu.memory_space<vmem>> -> memref<64xi32, #tpu.memory_space<vmem>>
      %dma_wait3A_578 = arith.constant 0 : i32
      %dma_wait3A_579 = arith.constant 0 : i32
      %dma_wait3A_580 = tpu.memref_slice %arg2[%dma_wait3A_570, %dma_wait3A_578, %dma_wait3A_579] : memref<128x1024x256xf32, #tpu.memory_space<hbm>> -> memref<1x1024x256xf32, #tpu.memory_space<hbm>>
      %dma_wait3A_581 = tpu.memref_squeeze %dma_wait3A_580 : memref<1x1024x256xf32, #tpu.memory_space<hbm>> -> memref<1024x256xf32, #tpu.memory_space<hbm>>
      %dma_wait3A_582 = arith.constant 0 : i32
      %dma_wait3A_583 = arith.constant 0 : i32
      %dma_wait3A_584 = tpu.memref_slice %dma_wait3A_581[%dma_wait3A_582, %dma_wait3A_583] : memref<1024x256xf32, #tpu.memory_space<hbm>> -> memref<1024x256xf32, #tpu.memory_space<hbm>>
      tpu.wait_indirect_dma semaphore(%arg9 : memref<!tpu.dma_semaphore, #tpu.memory_space<semaphore_mem>>) src(%dma_wait3A_584 : memref<1024x256xf32, #tpu.memory_space<hbm>>) dst(%dma_wait3A_575 : memref<64x256xf32, #tpu.memory_space<vmem>>)
      %add3A_585 = arith.constant 3 : i32
      %add3A_586 = arith.addi %mul3A_141, %add3A_585 : i32
      %sub3A_587 = arith.constant 1 : i32
      %sub3A_588 = arith.subi %add3A_586, %sub3A_587 : i32
      %jit3A_589 = arith.constant 16 : i32
      %div3A_590 = arith.divsi %sub3A_588, %jit3A_589 : i32
      %sign3A_591 = arith.constant 0 : i32
      %sign3A_592 = arith.cmpi sgt, %sub3A_588, %sign3A_591 : i32
      %sign3A_593 = arith.extui %sign3A_592 : i1 to i32
      %sign3A_594 = arith.constant 0 : i32
      %sign3A_595 = arith.cmpi slt, %sub3A_588, %sign3A_594 : i32
      %sign3A_596 = arith.extui %sign3A_595 : i1 to i32
      %sign3A_597 = arith.subi %sign3A_593, %sign3A_596 : i32
      %sign3A_598 = arith.constant 0 : i32
      %sign3A_599 = arith.cmpi sgt, %jit3A_589, %sign3A_598 : i32
      %sign3A_600 = arith.extui %sign3A_599 : i1 to i32
      %sign3A_601 = arith.constant 0 : i32
      %sign3A_602 = arith.cmpi slt, %jit3A_589, %sign3A_601 : i32
      %sign3A_603 = arith.extui %sign3A_602 : i1 to i32
      %sign3A_604 = arith.subi %sign3A_600, %sign3A_603 : i32
      %ne3A_605 = arith.cmpi ne, %sign3A_597, %sign3A_604 : i32
      %rem3A_606 = arith.remsi %sub3A_588, %jit3A_589 : i32
      %ne3A_607 = arith.constant 0 : i32
      %ne3A_608 = arith.cmpi ne, %rem3A_606, %ne3A_607 : i32
      %and3A_609 = arith.andi %ne3A_605, %ne3A_608 : i1
      %sub3A_610 = arith.constant 1 : i32
      %sub3A_611 = arith.subi %div3A_590, %sub3A_610 : i32
      %select_n3A_612 = arith.select %and3A_609, %sub3A_611, %div3A_590 : i32
      %mul3A_613 = arith.constant 32 : i32
      %mul3A_614 = arith.muli %select_n3A_612, %mul3A_613 : i32
      %add3A_615 = arith.addi %add3A, %mul3A_614 : i32
      %jit3A_616 = arith.constant 16 : i32
      %eq3A_617 = arith.constant 0 : i32
      %eq3A_618 = arith.cmpi eq, %jit3A_616, %eq3A_617 : i32
      %jit3A_619 = arith.constant 1 : i32
      %select_n3A_620 = arith.select %eq3A_618, %jit3A_619, %jit3A_616 : i32
      %rem3A_621 = arith.remsi %sub3A_588, %select_n3A_620 : i32
      %ne3A_622 = arith.constant 0 : i32
      %ne3A_623 = arith.cmpi ne, %rem3A_621, %ne3A_622 : i32
      %lt3A_624 = arith.constant 0 : i32
      %lt3A_625 = arith.cmpi slt, %rem3A_621, %lt3A_624 : i32
      %lt3A_626 = arith.constant 0 : i32
      %lt3A_627 = arith.cmpi slt, %select_n3A_620, %lt3A_626 : i32
      %ne3A_628 = arith.xori %lt3A_625, %lt3A_627 : i1
      %and3A_629 = arith.andi %ne3A_628, %ne3A_623 : i1
      %add3A_630 = arith.addi %rem3A_621, %select_n3A_620 : i32
      %select_n3A_631 = arith.select %and3A_629, %add3A_630, %rem3A_621 : i32
      %mul3A_632 = arith.constant 64 : i32
      %mul3A_633 = arith.muli %select_n3A_631, %mul3A_632 : i32
      %multiple_of3A_634 = tpu.assume_multiple %mul3A_633, 64 : i32
      %dma_start3A_635 = arith.constant 2 : i32
      %dma_start3A_636 = arith.constant 0 : i32
      %dma_start3A_637 = arith.constant 0 : i32
      %dma_start3A_638 = tpu.memref_slice %arg6[%dma_start3A_635, %dma_start3A_636, %dma_start3A_637] : memref<4x64x256xf32, #tpu.memory_space<vmem>> -> memref<1x64x256xf32, #tpu.memory_space<vmem>>
      %dma_start3A_639 = tpu.memref_squeeze %dma_start3A_638 : memref<1x64x256xf32, #tpu.memory_space<vmem>> -> memref<64x256xf32, #tpu.memory_space<vmem>>
      %dma_start3A_640 = arith.constant 0 : i32
      %dma_start3A_641 = arith.constant 0 : i32
      %dma_start3A_642 = tpu.memref_slice %arg4[%add3A_615, %dma_start3A_640, %dma_start3A_641] : memref<128x1024x256xf32, #tpu.memory_space<hbm>> -> memref<1x1024x256xf32, #tpu.memory_space<hbm>>
      %dma_start3A_643 = tpu.memref_squeeze %dma_start3A_642 : memref<1x1024x256xf32, #tpu.memory_space<hbm>> -> memref<1024x256xf32, #tpu.memory_space<hbm>>
      %dma_start3A_644 = arith.constant 0 : i32
      %dma_start3A_645 = tpu.memref_slice %dma_start3A_643[%multiple_of3A_634, %dma_start3A_644] : memref<1024x256xf32, #tpu.memory_space<hbm>> -> memref<64x256xf32, #tpu.memory_space<hbm>>
      %dma_start3A_646 = arith.constant 0 : i32
      %dma_start3A_647 = arith.constant 0 : i32
      %dma_start3A_648 = tpu.memref_slice %arg4[%add3A_615, %dma_start3A_646, %dma_start3A_647] : memref<128x1024x256xf32, #tpu.memory_space<hbm>> -> memref<1x1024x256xf32, #tpu.memory_space<hbm>>
      %dma_start3A_649 = tpu.memref_squeeze %dma_start3A_648 : memref<1x1024x256xf32, #tpu.memory_space<hbm>> -> memref<1024x256xf32, #tpu.memory_space<hbm>>
      %dma_start3A_650 = arith.constant 0 : i32
      %dma_start3A_651 = tpu.memref_slice %dma_start3A_649[%multiple_of3A_634, %dma_start3A_650] : memref<1024x256xf32, #tpu.memory_space<hbm>> -> memref<64x256xf32, #tpu.memory_space<hbm>>
      %dma_start3A_652 = arith.constant 0 : i32
      %dma_start3A_653 = arith.constant 0 : i32
      %dma_start3A_654 = tpu.memref_slice %arg6[%dma_start3A_635, %dma_start3A_652, %dma_start3A_653] : memref<4x64x256xf32, #tpu.memory_space<vmem>> -> memref<1x64x256xf32, #tpu.memory_space<vmem>>
      %dma_start3A_655 = tpu.memref_squeeze %dma_start3A_654 : memref<1x64x256xf32, #tpu.memory_space<vmem>> -> memref<64x256xf32, #tpu.memory_space<vmem>>
      tpu.enqueue_dma source(%dma_start3A_655 : memref<64x256xf32, #tpu.memory_space<vmem>>) target(%dma_start3A_651 : memref<64x256xf32, #tpu.memory_space<hbm>>) target_semaphore(%arg13 : memref<!tpu.dma_semaphore, #tpu.memory_space<semaphore_mem>>)
    }
    %scan3A_5 = arith.constant 16 : i32
    %dma_wait3A = arith.constant 0 : i32
    %dma_wait3A_6 = arith.constant 3 : i32
    %dma_wait3A_7 = arith.constant 0 : i32
    %dma_wait3A_8 = arith.constant 0 : i32
    %dma_wait3A_9 = tpu.memref_slice %arg6[%dma_wait3A_6, %dma_wait3A_7, %dma_wait3A_8] : memref<4x64x256xf32, #tpu.memory_space<vmem>> -> memref<1x64x256xf32, #tpu.memory_space<vmem>>
    %dma_wait3A_10 = tpu.memref_squeeze %dma_wait3A_9 : memref<1x64x256xf32, #tpu.memory_space<vmem>> -> memref<64x256xf32, #tpu.memory_space<vmem>>
    %dma_wait3A_11 = arith.constant 0 : i32
    %dma_wait3A_12 = tpu.memref_slice %arg5[%dma_wait3A_11] : memref<1024xi32, #tpu.memory_space<vmem>> -> memref<64xi32, #tpu.memory_space<vmem>>
    %dma_wait3A_13 = arith.constant 0 : i32
    %dma_wait3A_14 = arith.constant 0 : i32
    %dma_wait3A_15 = tpu.memref_slice %arg2[%dma_wait3A, %dma_wait3A_13, %dma_wait3A_14] : memref<128x1024x256xf32, #tpu.memory_space<hbm>> -> memref<1x1024x256xf32, #tpu.memory_space<hbm>>
    %dma_wait3A_16 = tpu.memref_squeeze %dma_wait3A_15 : memref<1x1024x256xf32, #tpu.memory_space<hbm>> -> memref<1024x256xf32, #tpu.memory_space<hbm>>
    %dma_wait3A_17 = arith.constant 0 : i32
    %dma_wait3A_18 = arith.constant 0 : i32
    %dma_wait3A_19 = tpu.memref_slice %dma_wait3A_16[%dma_wait3A_17, %dma_wait3A_18] : memref<1024x256xf32, #tpu.memory_space<hbm>> -> memref<1024x256xf32, #tpu.memory_space<hbm>>
    tpu.wait_indirect_dma semaphore(%arg10 : memref<!tpu.dma_semaphore, #tpu.memory_space<semaphore_mem>>) src(%dma_wait3A_19 : memref<1024x256xf32, #tpu.memory_space<hbm>>) dst(%dma_wait3A_10 : memref<64x256xf32, #tpu.memory_space<vmem>>)
    %add3A_20 = arith.constant 96 : i32
    %add3A_21 = arith.addi %add3A, %add3A_20 : i32
    %multiple_of3A = arith.constant 960 : i32
    %multiple_of3A_22 = tpu.assume_multiple %multiple_of3A, 64 : i32
    %dma_start3A = arith.constant 3 : i32
    %dma_start3A_23 = arith.constant 0 : i32
    %dma_start3A_24 = arith.constant 0 : i32
    %dma_start3A_25 = tpu.memref_slice %arg6[%dma_start3A, %dma_start3A_23, %dma_start3A_24] : memref<4x64x256xf32, #tpu.memory_space<vmem>> -> memref<1x64x256xf32, #tpu.memory_space<vmem>>
    %dma_start3A_26 = tpu.memref_squeeze %dma_start3A_25 : memref<1x64x256xf32, #tpu.memory_space<vmem>> -> memref<64x256xf32, #tpu.memory_space<vmem>>
    %dma_start3A_27 = arith.constant 0 : i32
    %dma_start3A_28 = arith.constant 0 : i32
    %dma_start3A_29 = tpu.memref_slice %arg4[%add3A_21, %dma_start3A_27, %dma_start3A_28] : memref<128x1024x256xf32, #tpu.memory_space<hbm>> -> memref<1x1024x256xf32, #tpu.memory_space<hbm>>
    %dma_start3A_30 = tpu.memref_squeeze %dma_start3A_29 : memref<1x1024x256xf32, #tpu.memory_space<hbm>> -> memref<1024x256xf32, #tpu.memory_space<hbm>>
    %dma_start3A_31 = arith.constant 0 : i32
    %dma_start3A_32 = tpu.memref_slice %dma_start3A_30[%multiple_of3A_22, %dma_start3A_31] : memref<1024x256xf32, #tpu.memory_space<hbm>> -> memref<64x256xf32, #tpu.memory_space<hbm>>
    %dma_start3A_33 = arith.constant 0 : i32
    %dma_start3A_34 = arith.constant 0 : i32
    %dma_start3A_35 = tpu.memref_slice %arg4[%add3A_21, %dma_start3A_33, %dma_start3A_34] : memref<128x1024x256xf32, #tpu.memory_space<hbm>> -> memref<1x1024x256xf32, #tpu.memory_space<hbm>>
    %dma_start3A_36 = tpu.memref_squeeze %dma_start3A_35 : memref<1x1024x256xf32, #tpu.memory_space<hbm>> -> memref<1024x256xf32, #tpu.memory_space<hbm>>
    %dma_start3A_37 = arith.constant 0 : i32
    %dma_start3A_38 = tpu.memref_slice %dma_start3A_36[%multiple_of3A_22, %dma_start3A_37] : memref<1024x256xf32, #tpu.memory_space<hbm>> -> memref<64x256xf32, #tpu.memory_space<hbm>>
    %dma_start3A_39 = arith.constant 0 : i32
    %dma_start3A_40 = arith.constant 0 : i32
    %dma_start3A_41 = tpu.memref_slice %arg6[%dma_start3A, %dma_start3A_39, %dma_start3A_40] : memref<4x64x256xf32, #tpu.memory_space<vmem>> -> memref<1x64x256xf32, #tpu.memory_space<vmem>>
    %dma_start3A_42 = tpu.memref_squeeze %dma_start3A_41 : memref<1x64x256xf32, #tpu.memory_space<vmem>> -> memref<64x256xf32, #tpu.memory_space<vmem>>
    tpu.enqueue_dma source(%dma_start3A_42 : memref<64x256xf32, #tpu.memory_space<vmem>>) target(%dma_start3A_38 : memref<64x256xf32, #tpu.memory_space<hbm>>) target_semaphore(%arg14 : memref<!tpu.dma_semaphore, #tpu.memory_space<semaphore_mem>>)
    %dma_wait3A_43 = arith.constant 0 : i32
    %dma_wait3A_44 = arith.constant 0 : i32
    %dma_wait3A_45 = arith.constant 0 : i32
    %dma_wait3A_46 = arith.constant 0 : i32
    %dma_wait3A_47 = tpu.memref_slice %arg6[%dma_wait3A_43, %dma_wait3A_45, %dma_wait3A_46] : memref<4x64x256xf32, #tpu.memory_space<vmem>> -> memref<1x64x256xf32, #tpu.memory_space<vmem>>
    %dma_wait3A_48 = tpu.memref_squeeze %dma_wait3A_47 : memref<1x64x256xf32, #tpu.memory_space<vmem>> -> memref<64x256xf32, #tpu.memory_space<vmem>>
    %dma_wait3A_49 = arith.constant 0 : i32
    %dma_wait3A_50 = arith.constant 0 : i32
    %dma_wait3A_51 = tpu.memref_slice %arg4[%dma_wait3A_44, %dma_wait3A_49, %dma_wait3A_50] : memref<128x1024x256xf32, #tpu.memory_space<hbm>> -> memref<1x1024x256xf32, #tpu.memory_space<hbm>>
    %dma_wait3A_52 = tpu.memref_squeeze %dma_wait3A_51 : memref<1x1024x256xf32, #tpu.memory_space<hbm>> -> memref<1024x256xf32, #tpu.memory_space<hbm>>
    %dma_wait3A_53 = arith.constant 0 : i32
    %dma_wait3A_54 = arith.constant 0 : i32
    %dma_wait3A_55 = tpu.memref_slice %dma_wait3A_52[%dma_wait3A_53, %dma_wait3A_54] : memref<1024x256xf32, #tpu.memory_space<hbm>> -> memref<64x256xf32, #tpu.memory_space<hbm>>
    %dma_wait3A_56 = arith.constant 0 : i32
    %dma_wait3A_57 = arith.constant 0 : i32
    %dma_wait3A_58 = tpu.memref_slice %arg4[%dma_wait3A_44, %dma_wait3A_56, %dma_wait3A_57] : memref<128x1024x256xf32, #tpu.memory_space<hbm>> -> memref<1x1024x256xf32, #tpu.memory_space<hbm>>
    %dma_wait3A_59 = tpu.memref_squeeze %dma_wait3A_58 : memref<1x1024x256xf32, #tpu.memory_space<hbm>> -> memref<1024x256xf32, #tpu.memory_space<hbm>>
    %dma_wait3A_60 = arith.constant 0 : i32
    %dma_wait3A_61 = arith.constant 0 : i32
    %dma_wait3A_62 = tpu.memref_slice %dma_wait3A_59[%dma_wait3A_60, %dma_wait3A_61] : memref<1024x256xf32, #tpu.memory_space<hbm>> -> memref<64x256xf32, #tpu.memory_space<hbm>>
    %dma_wait3A_63 = arith.constant 0 : i32
    %dma_wait3A_64 = arith.constant 0 : i32
    %dma_wait3A_65 = tpu.memref_slice %arg6[%dma_wait3A_43, %dma_wait3A_63, %dma_wait3A_64] : memref<4x64x256xf32, #tpu.memory_space<vmem>> -> memref<1x64x256xf32, #tpu.memory_space<vmem>>
    %dma_wait3A_66 = tpu.memref_squeeze %dma_wait3A_65 : memref<1x64x256xf32, #tpu.memory_space<vmem>> -> memref<64x256xf32, #tpu.memory_space<vmem>>
    tpu.wait_dma2 semaphore(%arg11 : memref<!tpu.dma_semaphore, #tpu.memory_space<semaphore_mem>>) src(%dma_wait3A_66 : memref<64x256xf32, #tpu.memory_space<vmem>>) dst(%dma_wait3A_62 : memref<64x256xf32, #tpu.memory_space<hbm>>)
    %dma_wait3A_67 = arith.constant 1 : i32
    %dma_wait3A_68 = arith.constant 0 : i32
    %dma_wait3A_69 = arith.constant 0 : i32
    %dma_wait3A_70 = arith.constant 0 : i32
    %dma_wait3A_71 = tpu.memref_slice %arg6[%dma_wait3A_67, %dma_wait3A_69, %dma_wait3A_70] : memref<4x64x256xf32, #tpu.memory_space<vmem>> -> memref<1x64x256xf32, #tpu.memory_space<vmem>>
    %dma_wait3A_72 = tpu.memref_squeeze %dma_wait3A_71 : memref<1x64x256xf32, #tpu.memory_space<vmem>> -> memref<64x256xf32, #tpu.memory_space<vmem>>
    %dma_wait3A_73 = arith.constant 0 : i32
    %dma_wait3A_74 = arith.constant 0 : i32
    %dma_wait3A_75 = tpu.memref_slice %arg4[%dma_wait3A_68, %dma_wait3A_73, %dma_wait3A_74] : memref<128x1024x256xf32, #tpu.memory_space<hbm>> -> memref<1x1024x256xf32, #tpu.memory_space<hbm>>
    %dma_wait3A_76 = tpu.memref_squeeze %dma_wait3A_75 : memref<1x1024x256xf32, #tpu.memory_space<hbm>> -> memref<1024x256xf32, #tpu.memory_space<hbm>>
    %dma_wait3A_77 = arith.constant 0 : i32
    %dma_wait3A_78 = arith.constant 0 : i32
    %dma_wait3A_79 = tpu.memref_slice %dma_wait3A_76[%dma_wait3A_77, %dma_wait3A_78] : memref<1024x256xf32, #tpu.memory_space<hbm>> -> memref<64x256xf32, #tpu.memory_space<hbm>>
    %dma_wait3A_80 = arith.constant 0 : i32
    %dma_wait3A_81 = arith.constant 0 : i32
    %dma_wait3A_82 = tpu.memref_slice %arg4[%dma_wait3A_68, %dma_wait3A_80, %dma_wait3A_81] : memref<128x1024x256xf32, #tpu.memory_space<hbm>> -> memref<1x1024x256xf32, #tpu.memory_space<hbm>>
    %dma_wait3A_83 = tpu.memref_squeeze %dma_wait3A_82 : memref<1x1024x256xf32, #tpu.memory_space<hbm>> -> memref<1024x256xf32, #tpu.memory_space<hbm>>
    %dma_wait3A_84 = arith.constant 0 : i32
    %dma_wait3A_85 = arith.constant 0 : i32
    %dma_wait3A_86 = tpu.memref_slice %dma_wait3A_83[%dma_wait3A_84, %dma_wait3A_85] : memref<1024x256xf32, #tpu.memory_space<hbm>> -> memref<64x256xf32, #tpu.memory_space<hbm>>
    %dma_wait3A_87 = arith.constant 0 : i32
    %dma_wait3A_88 = arith.constant 0 : i32
    %dma_wait3A_89 = tpu.memref_slice %arg6[%dma_wait3A_67, %dma_wait3A_87, %dma_wait3A_88] : memref<4x64x256xf32, #tpu.memory_space<vmem>> -> memref<1x64x256xf32, #tpu.memory_space<vmem>>
    %dma_wait3A_90 = tpu.memref_squeeze %dma_wait3A_89 : memref<1x64x256xf32, #tpu.memory_space<vmem>> -> memref<64x256xf32, #tpu.memory_space<vmem>>
    tpu.wait_dma2 semaphore(%arg12 : memref<!tpu.dma_semaphore, #tpu.memory_space<semaphore_mem>>) src(%dma_wait3A_90 : memref<64x256xf32, #tpu.memory_space<vmem>>) dst(%dma_wait3A_86 : memref<64x256xf32, #tpu.memory_space<hbm>>)
    %dma_wait3A_91 = arith.constant 2 : i32
    %dma_wait3A_92 = arith.constant 0 : i32
    %dma_wait3A_93 = arith.constant 0 : i32
    %dma_wait3A_94 = arith.constant 0 : i32
    %dma_wait3A_95 = tpu.memref_slice %arg6[%dma_wait3A_91, %dma_wait3A_93, %dma_wait3A_94] : memref<4x64x256xf32, #tpu.memory_space<vmem>> -> memref<1x64x256xf32, #tpu.memory_space<vmem>>
    %dma_wait3A_96 = tpu.memref_squeeze %dma_wait3A_95 : memref<1x64x256xf32, #tpu.memory_space<vmem>> -> memref<64x256xf32, #tpu.memory_space<vmem>>
    %dma_wait3A_97 = arith.constant 0 : i32
    %dma_wait3A_98 = arith.constant 0 : i32
    %dma_wait3A_99 = tpu.memref_slice %arg4[%dma_wait3A_92, %dma_wait3A_97, %dma_wait3A_98] : memref<128x1024x256xf32, #tpu.memory_space<hbm>> -> memref<1x1024x256xf32, #tpu.memory_space<hbm>>
    %dma_wait3A_100 = tpu.memref_squeeze %dma_wait3A_99 : memref<1x1024x256xf32, #tpu.memory_space<hbm>> -> memref<1024x256xf32, #tpu.memory_space<hbm>>
    %dma_wait3A_101 = arith.constant 0 : i32
    %dma_wait3A_102 = arith.constant 0 : i32
    %dma_wait3A_103 = tpu.memref_slice %dma_wait3A_100[%dma_wait3A_101, %dma_wait3A_102] : memref<1024x256xf32, #tpu.memory_space<hbm>> -> memref<64x256xf32, #tpu.memory_space<hbm>>
    %dma_wait3A_104 = arith.constant 0 : i32
    %dma_wait3A_105 = arith.constant 0 : i32
    %dma_wait3A_106 = tpu.memref_slice %arg4[%dma_wait3A_92, %dma_wait3A_104, %dma_wait3A_105] : memref<128x1024x256xf32, #tpu.memory_space<hbm>> -> memref<1x1024x256xf32, #tpu.memory_space<hbm>>
    %dma_wait3A_107 = tpu.memref_squeeze %dma_wait3A_106 : memref<1x1024x256xf32, #tpu.memory_space<hbm>> -> memref<1024x256xf32, #tpu.memory_space<hbm>>
    %dma_wait3A_108 = arith.constant 0 : i32
    %dma_wait3A_109 = arith.constant 0 : i32
    %dma_wait3A_110 = tpu.memref_slice %dma_wait3A_107[%dma_wait3A_108, %dma_wait3A_109] : memref<1024x256xf32, #tpu.memory_space<hbm>> -> memref<64x256xf32, #tpu.memory_space<hbm>>
    %dma_wait3A_111 = arith.constant 0 : i32
    %dma_wait3A_112 = arith.constant 0 : i32
    %dma_wait3A_113 = tpu.memref_slice %arg6[%dma_wait3A_91, %dma_wait3A_111, %dma_wait3A_112] : memref<4x64x256xf32, #tpu.memory_space<vmem>> -> memref<1x64x256xf32, #tpu.memory_space<vmem>>
    %dma_wait3A_114 = tpu.memref_squeeze %dma_wait3A_113 : memref<1x64x256xf32, #tpu.memory_space<vmem>> -> memref<64x256xf32, #tpu.memory_space<vmem>>
    tpu.wait_dma2 semaphore(%arg13 : memref<!tpu.dma_semaphore, #tpu.memory_space<semaphore_mem>>) src(%dma_wait3A_114 : memref<64x256xf32, #tpu.memory_space<vmem>>) dst(%dma_wait3A_110 : memref<64x256xf32, #tpu.memory_space<hbm>>)
    %dma_wait3A_115 = arith.constant 3 : i32
    %dma_wait3A_116 = arith.constant 0 : i32
    %dma_wait3A_117 = arith.constant 0 : i32
    %dma_wait3A_118 = arith.constant 0 : i32
    %dma_wait3A_119 = tpu.memref_slice %arg6[%dma_wait3A_115, %dma_wait3A_117, %dma_wait3A_118] : memref<4x64x256xf32, #tpu.memory_space<vmem>> -> memref<1x64x256xf32, #tpu.memory_space<vmem>>
    %dma_wait3A_120 = tpu.memref_squeeze %dma_wait3A_119 : memref<1x64x256xf32, #tpu.memory_space<vmem>> -> memref<64x256xf32, #tpu.memory_space<vmem>>
    %dma_wait3A_121 = arith.constant 0 : i32
    %dma_wait3A_122 = arith.constant 0 : i32
    %dma_wait3A_123 = tpu.memref_slice %arg4[%dma_wait3A_116, %dma_wait3A_121, %dma_wait3A_122] : memref<128x1024x256xf32, #tpu.memory_space<hbm>> -> memref<1x1024x256xf32, #tpu.memory_space<hbm>>
    %dma_wait3A_124 = tpu.memref_squeeze %dma_wait3A_123 : memref<1x1024x256xf32, #tpu.memory_space<hbm>> -> memref<1024x256xf32, #tpu.memory_space<hbm>>
    %dma_wait3A_125 = arith.constant 0 : i32
    %dma_wait3A_126 = arith.constant 0 : i32
    %dma_wait3A_127 = tpu.memref_slice %dma_wait3A_124[%dma_wait3A_125, %dma_wait3A_126] : memref<1024x256xf32, #tpu.memory_space<hbm>> -> memref<64x256xf32, #tpu.memory_space<hbm>>
    %dma_wait3A_128 = arith.constant 0 : i32
    %dma_wait3A_129 = arith.constant 0 : i32
    %dma_wait3A_130 = tpu.memref_slice %arg4[%dma_wait3A_116, %dma_wait3A_128, %dma_wait3A_129] : memref<128x1024x256xf32, #tpu.memory_space<hbm>> -> memref<1x1024x256xf32, #tpu.memory_space<hbm>>
    %dma_wait3A_131 = tpu.memref_squeeze %dma_wait3A_130 : memref<1x1024x256xf32, #tpu.memory_space<hbm>> -> memref<1024x256xf32, #tpu.memory_space<hbm>>
    %dma_wait3A_132 = arith.constant 0 : i32
    %dma_wait3A_133 = arith.constant 0 : i32
    %dma_wait3A_134 = tpu.memref_slice %dma_wait3A_131[%dma_wait3A_132, %dma_wait3A_133] : memref<1024x256xf32, #tpu.memory_space<hbm>> -> memref<64x256xf32, #tpu.memory_space<hbm>>
    %dma_wait3A_135 = arith.constant 0 : i32
    %dma_wait3A_136 = arith.constant 0 : i32
    %dma_wait3A_137 = tpu.memref_slice %arg6[%dma_wait3A_115, %dma_wait3A_135, %dma_wait3A_136] : memref<4x64x256xf32, #tpu.memory_space<vmem>> -> memref<1x64x256xf32, #tpu.memory_space<vmem>>
    %dma_wait3A_138 = tpu.memref_squeeze %dma_wait3A_137 : memref<1x64x256xf32, #tpu.memory_space<vmem>> -> memref<64x256xf32, #tpu.memory_space<vmem>>
    tpu.wait_dma2 semaphore(%arg14 : memref<!tpu.dma_semaphore, #tpu.memory_space<semaphore_mem>>) src(%dma_wait3A_138 : memref<64x256xf32, #tpu.memory_space<vmem>>) dst(%dma_wait3A_134 : memref<64x256xf32, #tpu.memory_space<hbm>>)
    return
  }
}

</mosaic_0001>

<sc_bundles>
// kernel: _sc_subsample.3.cloned.1.call-start
scs
__scs_entry_jumppad:
0x0: {  	(pc) =	sbr.rel $0x88, $3  }
0x1: {  	(tag) =	ssettag $0x0;
	lr =	simm.s32 $0x1  }
0x2: {  	[smem:$0x3F9F] =	sst lr;
	_ =	strace $0xD0000000  }
0x3: {  	_ = 	snop  }
0x4: {  	_ = 	snop  }
0x5: {  	_ = 	snop  }
0x6: {  	_ = 	snop  }
0x7: {  	_ = 	snop  }
__scs_overlays_trampoline_lowered:
0x8: {  	[smem:$0x3FAE] =	sst s0  }
0x9: {  	[smem:$0x3FAF] =	sst s1  }
0xa: {  	[smem:$0x3FB0] =	sst s2  }
0xb: {  	[smem:$0x3FB1] =	sst s3  }
0xc: {  	[smem:$0x3FB2] =	sst s4  }
0xd: {  	[smem:$0x3FB3] =	sst s5  }
0xe: {  	[smem:$0x3FB4] =	sst s6  }
0xf: {  	[smem:$0x3FB5] =	sst s7  }
0x10: {  	[smem:$0x3FB6] =	sst s8  }
0x11: {  	[smem:$0x3FB7] =	sst s9;
	s0 =	simm.s32 @!p0 $0x0  }
0x12: {  	s1 =	sld [smem:$0x3F9D];
	s0 =	simm.s32 @p0 $0x1  }
0x13: {  	[smem:$0x3FB8] =	sst s0;
	s0 =	simm.s32 @!p1 $0x0  }
0x14: {  	s2 =	sld [smem:$0x3F9C];
	s0 =	simm.s32 @p1 $0x1  }
0x15: {  	[smem:$0x3FB9] =	sst s0;
	s0 =	simm.s32 @!p2 $0x0  }
0x16: {  	s3 =	sld [smem:$0x3FDB];
	s0 =	simm.s32 @p2 $0x1  }
0x17: {  	s4 =	simm.s32 $0x1BF5;
	[smem:$0x3FBB] =	sst s0  }
0x18: {  	s0 =	sld [smem:$0x3F9E];
	_ =	swait.ge [sflag:s4], $0x0  }
0x19: {  	s7 =	sld [smem:$0x3F9F]  }
0x1a: {  	s8 =	sadd.s32 $0xFFFFE003, lr  }
0x1b: {  	s9 =	sadd.s32 $0xFFFFFEF7, lr;
	s5 =	simm.s32 $0xFFFFFFFF;
	p2 =	slt.u32 s8, $0xFFFFF086  }
0x1c: {  	p1 =	slt.u32 s9, $0xF7A;
	s5 =	simm.s32 @!p2 $0x0  }
0x1d: {  	s5 =	simm.s32 @p1 $0x1;
	p0 =	seq.s32 s7, s2  }
0x1e: {  	s7 =	smul.u32 @!p0 $0xF7A, s2;
	p2 =	seq.s32 @!p0 s5, $0x0  }
0x1f: {  	s9 =	smul.u32 $0xF7A, s1;
	s8 =	simm.s32 @!p0 $0x1BF5;
	p2 =	por !p2, p0  }
0x20: {  	[sflag:s8] =	ssyncset.s32 @!p0 $0xFFFFF086;
	s6 =	sadd.s32 @!p0 s3, s7;
	s7 =	simm.s32 @!p0 $0x108  }
0x21: {  	s3 =	sadd.s32 s3, s9;
	s6 =	sadd.s32 @!p0 $0x88, s6;
	s7 =	simm.s32 @p2 $0x1082  }
0x22: {  	[simem:s7], [sflag:s8] =	dma.local @!p0 [hbm:s6], $0xF7A  }
0x23: {  	s9 =	sor.u32 $0xD0000000, s2;
	s6 =	simm.s32 $0x108;
	_ =	swait.ge @!p0 [sflag:s8], $0x0  }
0x24: {  	s3 =	sadd.s32 $0x88, s3;
	s6 =	simm.s32 @!p1 $0x1082;
	[sflag:s4] =	ssyncset.s32 $0xFFFFF086  }
0x25: {  	[simem:s6], [sflag:s4] =	dma.local [hbm:s3], $0xF7A  }
0x26: {  	[smem:$0x3F9F] =	sst s1;
	(tag) =	ssettag s2;
	_ =	strace s9  }
0x27: {  	s1 =	sld [smem:$0x3FAF]  }
0x28: {  	s2 =	sld [smem:$0x3FB0]  }
0x29: {  	s4 =	sld [smem:$0x3FB2]  }
0x2a: {  	p0 =	seq.s32 s5, $0x0;
	s5 =	sld [smem:$0x3FB3]  }
0x2b: {  	s6 =	sld [smem:$0x3FB4]  }
0x2c: {  	s7 =	sld [smem:$0x3FB5]  }
0x2d: {  	s3 =	simm.s32 $0x108;
	s8 =	sld [smem:$0x3FB6]  }
0x2e: {  	s3 =	simm.s32 @!p0 $0x1082;
	s9 =	sld [smem:$0x3FB7]  }
0x2f: {  	lr =	sadd.s32 s0, s3;
	s0 =	sld [smem:$0x3FAE]  }
0x30: {  	s3 =	sld [smem:$0x3FB1]  }
0x31: {  	[smem:$0x3FBA] =	sst s10  }
0x32: {  	s10 =	sld [smem:$0x3FB8];
	_ =	sdelay $0x3  }
0x33: {  	p0 =	seq.s32 s10, $0x1;
	s10 =	sld [smem:$0x3FBA];
	_ =	sdelay $0x3  }
0x34: {  	[smem:$0x3FBA] =	sst s10  }
0x35: {  	s10 =	sld [smem:$0x3FB9];
	_ =	sdelay $0x3  }
0x36: {  	p1 =	seq.s32 s10, $0x1;
	s10 =	sld [smem:$0x3FBA];
	_ =	sdelay $0x3  }
0x37: {  	[smem:$0x3FBA] =	sst s10  }
0x38: {  	s10 =	sld [smem:$0x3FBB]  }
0x39: {  	_ = 	snop;
	(pc) =	sbr.ind lr, $3  }
0x3a: {  	_ = 	snop  }
0x3b: {  	_ = 	snop  }
0x3c: {  	p2 =	seq.s32 s10, $0x1;
	s10 =	sld [smem:$0x3FBA]  }
0x3d: {  	_ =	shalt  }
0x3e: {  	_ =	shalt  }
0x3f: {  	_ =	shalt  }
0x40: {  	_ =	shalt  }
0x41: {  	_ =	shalt  }
0x42: {  	_ =	shalt  }
0x43: {  	_ =	shalt  }
0x44: {  	_ =	shalt  }
0x45: {  	_ =	shalt  }
0x46: {  	_ =	shalt  }
0x47: {  	_ =	shalt  }
0x48: {  	_ =	shalt  }
0x49: {  	_ =	shalt  }
0x4a: {  	_ =	shalt  }
0x4b: {  	_ =	shalt  }
0x4c: {  	_ =	shalt  }
0x4d: {  	_ =	shalt  }
0x4e: {  	_ =	shalt  }
0x4f: {  	_ =	shalt  }
0x50: {  	_ =	shalt  }
0x51: {  	_ =	shalt  }
0x52: {  	_ =	shalt  }
0x53: {  	_ =	shalt  }
0x54: {  	_ =	shalt  }
0x55: {  	_ =	shalt  }
0x56: {  	_ =	shalt  }
0x57: {  	_ =	shalt  }
0x58: {  	_ =	shalt  }
0x59: {  	_ =	shalt  }
0x5a: {  	_ =	shalt  }
0x5b: {  	_ =	shalt  }
0x5c: {  	_ =	shalt  }
0x5d: {  	_ =	shalt  }
0x5e: {  	_ =	shalt  }
0x5f: {  	_ =	shalt  }
0x60: {  	_ =	shalt  }
0x61: {  	_ =	shalt  }
0x62: {  	_ =	shalt  }
0x63: {  	_ =	shalt  }
0x64: {  	_ =	shalt  }
0x65: {  	_ =	shalt  }
0x66: {  	_ =	shalt  }
0x67: {  	_ =	shalt  }
0x68: {  	_ =	shalt  }
0x69: {  	_ =	shalt  }
0x6a: {  	_ =	shalt  }
0x6b: {  	_ =	shalt  }
0x6c: {  	_ =	shalt  }
0x6d: {  	_ =	shalt  }
0x6e: {  	_ =	shalt  }
0x6f: {  	_ =	shalt  }
0x70: {  	_ =	shalt  }
0x71: {  	_ =	shalt  }
0x72: {  	_ =	shalt  }
0x73: {  	_ =	shalt  }
0x74: {  	_ =	shalt  }
0x75: {  	_ =	shalt  }
0x76: {  	_ =	shalt  }
0x77: {  	_ =	shalt  }
0x78: {  	_ =	shalt  }
0x79: {  	_ =	shalt  }
0x7a: {  	_ =	shalt  }
0x7b: {  	_ =	shalt  }
0x7c: {  	_ =	shalt  }
0x7d: {  	_ =	shalt  }
0x7e: {  	_ =	shalt  }
0x7f: {  	_ =	shalt  }
0x80: {  	_ =	shalt  }
0x81: {  	_ =	shalt  }
0x82: {  	_ =	shalt  }
0x83: {  	_ =	shalt  }
0x84: {  	_ =	shalt  }
0x85: {  	_ =	shalt  }
0x86: {  	_ =	shalt  }
0x87: {  	_ =	shalt  }
.Lfunc_end0:
.L_simem_size_0:
called_computation_lowered:
.L_overlay_start_0:
0x88: {  	s2 =	sld [smem:$0x3FD9]  }
0x89: {  	s3 =	sld [smem:$0x3FFE];
	_ =	sdelay $0x1  }
0x8a: {  	s1 =	srdreg.scid  }
0x8b: {  	s0 =	sand.u32 $0x1, s1  }
0x8c: {  	s18 =	sshll.u32 s0, $0xA;
	s2 =	sadd.s32 s3, s2  }
0x8d: {  	s2 =	sadd.s32 s2, s18  }
0x8e: {  	[smem:$0x3FC6] =	sst s2  }
0x8f: {  	_ = 	snop  }
0x90: {  	s2 =	sld [smem:$0x3FC9]  }
0x91: {  	s19 =	sld [smem:$0x3FC8]  }
0x92: {  	s4 =	sld [smem:$0x3FD0];
	(tm) =	ssettm $0x1  }
0x93: {  	s5 =	sld [smem:$0x3FFB];
	_ =	sdelay $0x3  }
0x94: {  	_ =	strace s5  }
0x95: {  	s5 =	sld [smem:$0x3FFC];
	_ =	sdelay $0x3  }
0x96: {  	_ =	strace s5  }
0x97: {  	s5 =	sld [smem:$0x3FFD];
	_ =	sdelay $0x3  }
0x98: {  	_ =	strace s5  }
0x99: {  	_ =	strace $0x8FFFFFFF  }
0x9a: {  	s20 =	sld [smem:$0x3FDB];
	_ =	sdelay $0x1  }
0x9b: {  	s6 =	simm.s32 $_scs_section_size  }
0x9c: {  	s7 =	simm.s32 $_size__tile_overlayer_lowered;
	s8 =	simm.s32 $_tile_overlayer_lowered  }
0x9d: {  	s23 =	simm.s32 $0x1BFF;
	s22 =	sshll.u32 s8, $0x1;
	s5 =	sadd.s32 s6, s20  }
0x9e: {  	s9 =	simm.s32 $0x0;
	s21 =	sshll.u32 s7, $0x1;
	s7 =	sadd.s32 s22, s5  }
0x9f: {  	[timem:s9], [sflag:s23] =	dma.local [hbm:s7], s21  }
0xa0: {  	_ =	swait.ge [sflag:s23], s21  }
0xa1: {  	s6 =	ssub.s32 $0x0, s21;
	[sflag:s23] =	ssyncset.done $0x0  }
0xa2: {  	[sflag:s23] =	ssyncadd.s32 s6;
	_ =	sdelay $0x1  }
0xa3: {  	s24 =	simm.s32 $0x1B8B  }
0xa4: {  	_ =	swait.ge [sflag:s24], $0x1  }
0xa5: {  	[sflag:s24] =	ssyncset.done $0x0  }
0xa6: {  	s25 =	simm.s32 $0x1B8E;
	[sflag:s24] =	ssyncadd.s32 $0xFFFFFFFF  }
0xa7: {  	s26 =	simm.s32 $execute0_lowered;
	[smem:$0x3FD2] =	sst s25  }
0xa8: {  	s6 =	sshll.u32 s26, $0x1;
	_ =	strace $0x80000046;
	[dreg:$0x1] =	wrdreg $0xFFFFFFFF  }
0xa9: {  	s28 =	simm.s32 $_size_execute0_lowered;
	s5 =	sadd.s32 s5, s6;
	[dreg:$0x0] =	wrdreg $0x0  }
0xaa: {  	s6 =	sshll.u32 s28, $0x1;
	[dreg:$0x2] =	wrdreg s5  }
0xab: {  	[dreg:$0x3] =	wrdreg s6  }
0xac: {  	[dreg:$0x4] =	wrdreg $0xC0  }
0xad: {  	_ =	task [dreg:s9], $0x5FFFF  }
0xae: {  	[dreg:$0x1] =	wrdreg $0xFFFFFFFF  }
0xaf: {  	[dreg:$0x0] =	wrdreg $0x60  }
0xb0: {  	[dreg:$0x2] =	wrdreg s2  }
0xb1: {  	[dreg:$0x3] =	wrdreg s19  }
0xb2: {  	[dreg:$0x4] =	wrdreg s4  }
0xb3: {  	[dreg:$0x5] =	wrdreg $0x9  }
0xb4: {  	_ =	task.clear_ibuf [dreg:s9], $0x6FFFF;
	_ =	strace $0x90000046  }
0xb5: {  	s29 =	simm.s32 $0x9;
	_ =	strace $0x80000048  }
0xb6: {  	_ =	swait.ge [sflag:s29], $0x1  }
0xb7: {  	[sflag:s29] =	ssyncadd.s32 $0xFFFFFFFF  }
0xb8: {  	_ =	strace $0x90000048  }
0xb9: {  	_ =	sfence  }
0xba: {  	s30 =	sld [smem:$0x0];
	_ =	sdelay $0x2  }
0xbb: {  	s31 =	sshll.u32 s1, $0xD;
	s1 =	sshrl.u32 s1, $0x2  }
0xbc: {  	s3 =	sand.u32 $0x4000, s31;
	s1 =	sadd.s32 s1, s30  }
0xbd: {  	s0 =	sor.u32 s3, s0;
	s1 =	sshll.u32 s1, $0x11  }
0xbe: {  	s0 =	sor.u32 s1, s0  }
0xbf: {  	s0 =	sadd.s32 $0x8F2B, s0  }
0xc0: {  	[sflag:s0] =	ssyncadd.remote.s32 $0x1  }
0xc1: {  	_ =	sfence.sel $0xFFFF  }
0xc2: {  	[dreg:$0x0] =	wrdreg $0xFFFFFFFF;
	(pc) =	sbr.abs _section_cstart, $3  }
0xc3: {  	[dreg:$0x1] =	wrdreg $0xFFFFFFFF  }
0xc4: {  	_ =	task.clear_ibuf [dreg:s9], $0x2FFFF;
	_ =	strace $0x9FFFFFFF  }
0xc5: {  	(tm) =	ssettm $0x7FFFFFFF  }
tec
execute0_lowered:
.L_overlay_start_1:
0x0: {  	(tag) =	ssettag $0x1  }
0x1: {  	s0 =	rddreg [dreg:$0x0]  }
0x2: {  	s2 =	rddreg [dreg:$0x1]  }
0x3: {  	s3 =	rddreg [dreg:$0x2]  }
0x4: {  	s4 =	simm.s32 $0x0;
	[dreg:$0x4] =	wrdreg s0  }
0x5: {  	s8 =	simm.s32 $0xC00;
	[smem:$0x7FF] =	sst s4  }
0x6: {  	s9 =	simm.s32 $0x1400;
	_ =	strace $0x80000047;
	[dreg:$0x6] =	wrdreg s8  }
0x7: {  	s10 =	simm.s32 $0x1C00;
	[dreg:$0x7] =	wrdreg s9  }
0x8: {  	s11 =	simm.s32 $0x2400;
	[dreg:$0x8] =	wrdreg s10  }
0x9: {  	s12 =	simm.s32 $0x2C00;
	[dreg:$0x9] =	wrdreg s11  }
0xa: {  	s13 =	simm.s32 $0x3400;
	[dreg:$0xa] =	wrdreg s12  }
0xb: {  	s14 =	simm.s32 $0x3C00;
	[dreg:$0xb] =	wrdreg s13  }
0xc: {  	s15 =	simm.s32 $0x4C00;
	[dreg:$0xc] =	wrdreg s14  }
0xd: {  	s16 =	simm.s32 $0x5400;
	[dreg:$0xd] =	wrdreg s15  }
0xe: {  	s17 =	simm.s32 $0x5C00;
	[dreg:$0xe] =	wrdreg s16  }
0xf: {  	s18 =	simm.s32 $0x6400;
	[dreg:$0xf] =	wrdreg s17  }
0x10: {  	s19 =	simm.s32 $0x6C00;
	[dreg:$0x10] =	wrdreg s18  }
0x11: {  	s20 =	simm.s32 $0x7400;
	[dreg:$0x11] =	wrdreg s19  }
0x12: {  	s21 =	simm.s32 $0x7C00;
	[dreg:$0x12] =	wrdreg s20  }
0x13: {  	s22 =	simm.s32 $0x8C00;
	[dreg:$0x13] =	wrdreg s21  }
0x14: {  	s23 =	simm.s32 $0x9400;
	[dreg:$0x14] =	wrdreg s22  }
0x15: {  	s5 =	srdreg.scid;
	s24 =	simm.s32 $0x9C00;
	[dreg:$0x15] =	wrdreg s23  }
0x16: {  	s7 =	stileid.u32;
	s25 =	simm.s32 $0xA400;
	[dreg:$0x16] =	wrdreg s24  }
0x17: {  	s28 =	simm.s32 $0xAC00;
	s29 =	simm.s32 $0xB400;
	[dreg:$0x17] =	wrdreg s25  }
0x18: {  	s30 =	simm.s32 $0xBC00;
	s31 =	simm.s32 $0xFC00;
	[dreg:$0x18] =	wrdreg s28  }
0x19: {  	s5 =	sand.u32 $0x1, s5;
	s6 =	sshll.u32 s7, $0x1;
	[dreg:$0x19] =	wrdreg s29  }
0x1a: {  	s6 =	sor.u32 s5, s6;
	s5 =	ssub.s32 $0x2, s5;
	[dreg:$0x1a] =	wrdreg s30  }
0x1b: {  	s9 =	simm.s32 $0xCC00;
	s10 =	simm.s32 $0xD400;
	s11 =	simm.s32 $0xDC00  }
0x1c: {  	s12 =	simm.s32 $0xE400;
	s13 =	simm.s32 $0xEC00;
	s14 =	simm.s32 $0xF400  }
0x1d: {  	[smem:$0x7FD] =	sst s31;
	s15 =	simm.s32 $0x4;
	s17 =	simm.s32 $0x5  }
0x1e: {  	s18 =	simm.s32 $0x6;
	s19 =	simm.s32 $0x7;
	[dreg:$0x1b] =	wrdreg s9  }
0x1f: {  	s20 =	simm.s32 $0x8;
	s21 =	simm.s32 $0x0;
	[dreg:$0x1c] =	wrdreg s10  }
0x20: {  	s7 =	sshll.u32 s6, $0x12;
	s8 =	sshrl.u32 s5, $0x1;
	[dreg:$0x1d] =	wrdreg s11  }
0x21: {  	s9 =	simm.s32 $0x4400;
	s10 =	simm.s32 $0x1;
	[dreg:$0x1e] =	wrdreg s12  }
0x22: {  	s11 =	simm.s32 $0x8400;
	s12 =	simm.s32 $0x2;
	[dreg:$0x1f] =	wrdreg s13  }
0x23: {  	s13 =	simm.s32 $0xC400;
	s8 =	ssub.s32 s5, s8;
	s5 =	sshll.u32 s6, $0xF  }
0x24: {  	v2 =	vlaneseq.u32;
	[smem:$0x7FC] =	sst s14;
	s14 =	simm.s32 $0x3;
	s26 =	sadd.s32 s5, s3  }
0x25: {  	vm0 =	vmmov $0xffff;
	v1 =	vshrl.u32 v2, $0x3;
	[dreg:$0x5] =	wrdreg s7;
	s7 =	simm.s32 $0x9;
	s16 =	sadd.s32 $0x300000, s26  }
0x26: {  	v0 =	vand.u32 $0x7, v2;
	v2 =	vor.u32 $0x8, v2;
	v1 =	vmul.u32 $0x8, v1;
	s6 =	smax.u32 s8, $0x1;
	s8 =	simm.s32 $0x400;
	s16 =	sadd.s32 $0x7800, s16  }
.LBB2_1:
0x27: {  	[tilespmem:s4], [sflag:$0x9] =	stream.linear.gather [hbm4b:s2+s4], $0x400, $0x38;
	[tilespmem:$0x10400] =	vst v63  }
0x28: {  	_ =	swait.ge [sflag:s7], $0x400  }
0x29: {  	s22 =	simm.s32 $0xFFFFFFFF;
	s23 =	simm.s32 $0xFFFFF800;
	[sflag:s7] =	ssyncset.done $0x0  }
0x2a: {  	s24 =	simm.s32 $0x0;
	s25 =	simm.s32 $0x0;
	[sflag:s7] =	ssyncadd.s32 $0xFFFFFC00  }
.LBB2_2:
0x2b: {  	p0 =	seq.s32 s25, $0x0  }
0x2c: {  	s26 =	simm.s32 @!p0 $0x5  }
0x2d: {  	_ =	swait.ge @!p0 [sflag:s26], $0x4000  }
0x2e: {  	[sflag:s26] =	ssyncset.done @!p0 $0x0  }
0x2f: {  	[sflag:s26] =	ssyncadd.s32 @!p0 $0xFFFFC000;
	s26 =	sand.u32 $0x300, s25  }
0x30: {  	v3 =	vld [tilespmem:s26+$0x0];
	_ =	sdelay $0x4  }
0x31: {  	v4 =	vshll.u32 v3, $0x1  }
0x32: {  	v3 =	vand.u32 $0x7, v3;
	v4 =	vand.u32 $0xFFFFFFF0, v4  }
0x33: {  	v3 =	vor.u32 v3, v4  }
0x34: {  	v4 =	vperm.xlane v3, v0;
	_ =	sdelay $0x1  }
0x35: {  	v3 =	vperm.xlane v3, v2;
	v4 =	vadd.s32 v1, v4;
	_ =	sdelay $0x1  }
0x36: {  	s29 =	sand.u32 $0x300000, s24;
	v3 =	vadd.s32 v1, v3  }
0x37: {  	s29 =	sor.u32 s5, s29;
	s28 =	rddreg [dreg:$0x4]  }
0x38: {  	s28 =	sadd.s32 s28, s29  }
0x39: {  	[tilespmem:s8], [sflag:$0x1] =	stream.indirect_vreg.gather [hbm4b:s28+s4], $0x80, v4, vm0, $0xb8;
	[tilespmem:$0x10400] =	vst v63  }
0x3a: {  	s30 =	rddreg [dreg:$0x6]  }
0x3b: {  	[tilespmem:s30], [sflag:$0x1] =	stream.indirect_vreg.gather [hbm4b:s28+s4], $0x80, v3, vm0, $0xb8;
	[tilespmem:$0x10400] =	vst v63  }
0x3c: {  	v3 =	vld [tilespmem:s26+$0x10];
	_ =	sdelay $0x4  }
0x3d: {  	v49 =	vshll.u32 v3, $0x1  }
0x3e: {  	v3 =	vand.u32 $0x7, v3;
	v4 =	vand.u32 $0xFFFFFFF0, v49  }
0x3f: {  	v3 =	vor.u32 v3, v4  }
0x40: {  	v4 =	vperm.xlane v3, v0;
	_ =	sdelay $0x1  }
0x41: {  	v3 =	vperm.xlane v3, v2;
	v4 =	vadd.s32 v1, v4;
	_ =	sdelay $0x1  }
0x42: {  	v3 =	vadd.s32 v1, v3;
	_ =	sdelay $0x1  }
0x43: {  	s1 =	rddreg [dreg:$0x7]  }
0x44: {  	[tilespmem:s1], [sflag:$0x1] =	stream.indirect_vreg.gather [hbm4b:s28+s4], $0x80, v4, vm0, $0xb8;
	[tilespmem:$0x10400] =	vst v63  }
0x45: {  	s31 =	rddreg [dreg:$0x8]  }
0x46: {  	[tilespmem:s31], [sflag:$0x1] =	stream.indirect_vreg.gather [hbm4b:s28+s4], $0x80, v3, vm0, $0xb8;
	[tilespmem:$0x10400] =	vst v63  }
0x47: {  	v3 =	vld [tilespmem:s26+$0x20];
	_ =	sdelay $0x4  }
0x48: {  	v50 =	vshll.u32 v3, $0x1  }
0x49: {  	v3 =	vand.u32 $0x7, v3;
	v4 =	vand.u32 $0xFFFFFFF0, v50  }
0x4a: {  	v3 =	vor.u32 v3, v4  }
0x4b: {  	v4 =	vperm.xlane v3, v0;
	_ =	sdelay $0x1  }
0x4c: {  	v3 =	vperm.xlane v3, v2;
	v4 =	vadd.s32 v1, v4;
	_ =	sdelay $0x1  }
0x4d: {  	v3 =	vadd.s32 v1, v3;
	_ =	sdelay $0x1  }
0x4e: {  	s0 =	rddreg [dreg:$0x9]  }
0x4f: {  	[tilespmem:s0], [sflag:$0x1] =	stream.indirect_vreg.gather [hbm4b:s28+s4], $0x80, v4, vm0, $0xb8;
	[tilespmem:$0x10400] =	vst v63  }
0x50: {  	s1 =	rddreg [dreg:$0xa]  }
0x51: {  	[tilespmem:s1], [sflag:$0x1] =	stream.indirect_vreg.gather [hbm4b:s28+s4], $0x80, v3, vm0, $0xb8;
	[tilespmem:$0x10400] =	vst v63  }
0x52: {  	v3 =	vld [tilespmem:s26+$0x30];
	_ =	sdelay $0x4  }
0x53: {  	v51 =	vshll.u32 v3, $0x1  }
0x54: {  	v3 =	vand.u32 $0x7, v3;
	v4 =	vand.u32 $0xFFFFFFF0, v51  }
0x55: {  	v3 =	vor.u32 v3, v4  }
0x56: {  	v4 =	vperm.xlane v3, v0  }
0x57: {  	s30 =	sshll.u32 @!p0 s22, $0x18  }
0x58: {  	s30 =	sshra.s32 @!p0 s30, $0x1F;
	v3 =	vperm.xlane v3, v2;
	v4 =	vadd.s32 v1, v4  }
0x59: {  	s30 =	sand.u32 @!p0 $0xF, s30  }
0x5a: {  	s30 =	sadd.s32 @!p0 s30, s22;
	v3 =	vadd.s32 v1, v3  }
0x5b: {  	s30 =	sshll.u32 @!p0 s30, $0x18  }
0x5c: {  	s30 =	sshra.s32 @!p0 s30, $0x1C;
	s0 =	rddreg [dreg:$0xb]  }
0x5d: {  	[tilespmem:s0], [sflag:$0x1] =	stream.indirect_vreg.gather [hbm4b:s28+s4], $0x80, v4, vm0, $0xb8;
	[tilespmem:$0x10400] =	vst v63  }
0x5e: {  	s31 =	simm.s32 @!p0 $0x4;
	s1 =	rddreg [dreg:$0xc];
	s0 =	sshra.s32 @!p0 s22, $0x1F  }
0x5f: {  	[tilespmem:s1], [sflag:$0x1] =	stream.indirect_vreg.gather [hbm4b:s28+s4], $0x80, v3, vm0, $0xb8;
	[tilespmem:$0x10400] =	vst v63  }
0x60: {  	s0 =	sadd.s32 @!p0 s30, s0;
	_ =	swait.ge @!p0 [sflag:s31], $0x4000  }
0x61: {  	s0 =	sshll.u32 @!p0 s0, $0x17;
	s1 =	rddreg [dreg:$0x5]  }
0x62: {  	s0 =	sor.u32 @!p0 s1, s0  }
0x63: {  	s30 =	simm.s32 @!p0 $0xC400;
	s0 =	sshrl.u32 @!p0 s0, $0x3  }
0x64: {  	[sflag:s31] =	ssyncset.done @!p0 $0x0;
	s1 =	sand.u32 @!p0 $0x7800, s23;
	s0 =	sadd.s32 @!p0 s3, s0  }
0x65: {  	[sflag:s31] =	ssyncadd.s32 @!p0 $0xFFFFC000;
	s0 =	sadd.s32 @!p0 s1, s0;
	s1 =	simm.s32 @!p0 $0x0  }
0x66: {  	[hbm4b:s0+s1] =	stream.linear.scatter @!p0 [tilespmem:s30], [sflag:$0x8], $0x4000, $0x38;
	[tilespmem:$0x10400] =	vst v63  }
0x67: {  	s0 =	simm.s32 @!p0 $0x6  }
0x68: {  	_ =	swait.ge @!p0 [sflag:s0], $0x4000  }
0x69: {  	[sflag:s0] =	ssyncset.done @!p0 $0x0  }
0x6a: {  	s30 =	sor.u32 $0x40, s26;
	[sflag:s0] =	ssyncadd.s32 @!p0 $0xFFFFC000  }
0x6b: {  	v3 =	vld [tilespmem:s30+$0x0];
	_ =	sdelay $0x4  }
0x6c: {  	v52 =	vshll.u32 v3, $0x1  }
0x6d: {  	v3 =	vand.u32 $0x7, v3;
	v4 =	vand.u32 $0xFFFFFFF0, v52  }
0x6e: {  	v3 =	vor.u32 v3, v4  }
0x6f: {  	v4 =	vperm.xlane v3, v0;
	_ =	sdelay $0x1  }
0x70: {  	v3 =	vperm.xlane v3, v2;
	v4 =	vadd.s32 v1, v4;
	_ =	sdelay $0x1  }
0x71: {  	v3 =	vadd.s32 v1, v3;
	_ =	sdelay $0x2  }
0x72: {  	[tilespmem:s9], [sflag:$0x2] =	stream.indirect_vreg.gather [hbm4b:s28+s4], $0x80, v4, vm0, $0xb8;
	[tilespmem:$0x10400] =	vst v63  }
0x73: {  	s31 =	rddreg [dreg:$0xd]  }
0x74: {  	[tilespmem:s31], [sflag:$0x2] =	stream.indirect_vreg.gather [hbm4b:s28+s4], $0x80, v3, vm0, $0xb8;
	[tilespmem:$0x10400] =	vst v63  }
0x75: {  	v3 =	vld [tilespmem:s26+$0x50];
	_ =	sdelay $0x4  }
0x76: {  	v53 =	vshll.u32 v3, $0x1  }
0x77: {  	v3 =	vand.u32 $0x7, v3;
	v4 =	vand.u32 $0xFFFFFFF0, v53  }
0x78: {  	v3 =	vor.u32 v3, v4  }
0x79: {  	v4 =	vperm.xlane v3, v0;
	_ =	sdelay $0x1  }
0x7a: {  	v3 =	vperm.xlane v3, v2;
	v4 =	vadd.s32 v1, v4;
	_ =	sdelay $0x1  }
0x7b: {  	v3 =	vadd.s32 v1, v3;
	_ =	sdelay $0x1  }
0x7c: {  	s1 =	rddreg [dreg:$0xe]  }
0x7d: {  	[tilespmem:s1], [sflag:$0x2] =	stream.indirect_vreg.gather [hbm4b:s28+s4], $0x80, v4, vm0, $0xb8;
	[tilespmem:$0x10400] =	vst v63  }
0x7e: {  	s31 =	rddreg [dreg:$0xf]  }
0x7f: {  	[tilespmem:s31], [sflag:$0x2] =	stream.indirect_vreg.gather [hbm4b:s28+s4], $0x80, v3, vm0, $0xb8;
	[tilespmem:$0x10400] =	vst v63  }
0x80: {  	v3 =	vld [tilespmem:s26+$0x60];
	_ =	sdelay $0x4  }
0x81: {  	v54 =	vshll.u32 v3, $0x1  }
0x82: {  	v3 =	vand.u32 $0x7, v3;
	v4 =	vand.u32 $0xFFFFFFF0, v54  }
0x83: {  	v3 =	vor.u32 v3, v4  }
0x84: {  	v4 =	vperm.xlane v3, v0;
	_ =	sdelay $0x1  }
0x85: {  	v3 =	vperm.xlane v3, v2;
	v4 =	vadd.s32 v1, v4;
	_ =	sdelay $0x1  }
0x86: {  	v3 =	vadd.s32 v1, v3;
	_ =	sdelay $0x1  }
0x87: {  	s1 =	rddreg [dreg:$0x10]  }
0x88: {  	[tilespmem:s1], [sflag:$0x2] =	stream.indirect_vreg.gather [hbm4b:s28+s4], $0x80, v4, vm0, $0xb8;
	[tilespmem:$0x10400] =	vst v63  }
0x89: {  	s31 =	rddreg [dreg:$0x11]  }
0x8a: {  	[tilespmem:s31], [sflag:$0x2] =	stream.indirect_vreg.gather [hbm4b:s28+s4], $0x80, v3, vm0, $0xb8;
	[tilespmem:$0x10400] =	vst v63  }
0x8b: {  	v3 =	vld [tilespmem:s26+$0x70];
	_ =	sdelay $0x4  }
0x8c: {  	v55 =	vshll.u32 v3, $0x1  }
0x8d: {  	v3 =	vand.u32 $0x7, v3;
	v4 =	vand.u32 $0xFFFFFFF0, v55  }
0x8e: {  	v3 =	vor.u32 v3, v4  }
0x8f: {  	v4 =	vperm.xlane v3, v0;
	_ =	sdelay $0x1  }
0x90: {  	v3 =	vperm.xlane v3, v2;
	v4 =	vadd.s32 v1, v4;
	_ =	sdelay $0x1  }
0x91: {  	v3 =	vadd.s32 v1, v3;
	_ =	sdelay $0x1  }
0x92: {  	s1 =	rddreg [dreg:$0x12]  }
0x93: {  	[tilespmem:s1], [sflag:$0x2] =	stream.indirect_vreg.gather [hbm4b:s28+s4], $0x80, v4, vm0, $0xb8;
	[tilespmem:$0x10400] =	vst v63  }
0x94: {  	s31 =	rddreg [dreg:$0x13]  }
0x95: {  	[tilespmem:s31], [sflag:$0x2] =	stream.indirect_vreg.gather [hbm4b:s28+s4], $0x80, v3, vm0, $0xb8;
	[tilespmem:$0x10400] =	vst v63  }
0x96: {  	_ =	swait.ge [sflag:s10], $0x4000  }
0x97: {  	s29 =	sadd.s32 s3, s29;
	s31 =	sshll.u32 s26, $0x5;
	[sflag:s10] =	ssyncset.done $0x0  }
0x98: {  	s0 =	sadd.s32 s31, s29;
	[sflag:s10] =	ssyncadd.s32 $0xFFFFC000  }
0x99: {  	[hbm4b:s0+s4] =	stream.linear.scatter [tilespmem:s8], [sflag:$0x5], $0x4000, $0x38;
	[tilespmem:$0x10400] =	vst v63  }
0x9a: {  	s0 =	simm.s32 @!p0 $0x7  }
0x9b: {  	_ =	swait.ge @!p0 [sflag:s0], $0x4000  }
0x9c: {  	[sflag:s0] =	ssyncset.done @!p0 $0x0  }
0x9d: {  	s31 =	sor.u32 $0x80, s26;
	[sflag:s0] =	ssyncadd.s32 @!p0 $0xFFFFC000  }
0x9e: {  	v3 =	vld [tilespmem:s31+$0x0];
	_ =	sdelay $0x4  }
0x9f: {  	v56 =	vshll.u32 v3, $0x1  }
0xa0: {  	v3 =	vand.u32 $0x7, v3;
	v4 =	vand.u32 $0xFFFFFFF0, v56  }
0xa1: {  	v3 =	vor.u32 v3, v4  }
0xa2: {  	v4 =	vperm.xlane v3, v0;
	_ =	sdelay $0x1  }
0xa3: {  	v3 =	vperm.xlane v3, v2;
	v4 =	vadd.s32 v1, v4;
	_ =	sdelay $0x1  }
0xa4: {  	v3 =	vadd.s32 v1, v3;
	_ =	sdelay $0x2  }
0xa5: {  	[tilespmem:s11], [sflag:$0x3] =	stream.indirect_vreg.gather [hbm4b:s28+s4], $0x80, v4, vm0, $0xb8;
	[tilespmem:$0x10400] =	vst v63  }
0xa6: {  	s1 =	rddreg [dreg:$0x14]  }
0xa7: {  	[tilespmem:s1], [sflag:$0x3] =	stream.indirect_vreg.gather [hbm4b:s28+s4], $0x80, v3, vm0, $0xb8;
	[tilespmem:$0x10400] =	vst v63  }
0xa8: {  	v3 =	vld [tilespmem:s26+$0x90];
	_ =	sdelay $0x4  }
0xa9: {  	v57 =	vshll.u32 v3, $0x1  }
0xaa: {  	v3 =	vand.u32 $0x7, v3;
	v4 =	vand.u32 $0xFFFFFFF0, v57  }
0xab: {  	v3 =	vor.u32 v3, v4  }
0xac: {  	v4 =	vperm.xlane v3, v0;
	_ =	sdelay $0x1  }
0xad: {  	v3 =	vperm.xlane v3, v2;
	v4 =	vadd.s32 v1, v4;
	_ =	sdelay $0x1  }
0xae: {  	v3 =	vadd.s32 v1, v3;
	_ =	sdelay $0x1  }
0xaf: {  	s0 =	rddreg [dreg:$0x15]  }
0xb0: {  	[tilespmem:s0], [sflag:$0x3] =	stream.indirect_vreg.gather [hbm4b:s28+s4], $0x80, v4, vm0, $0xb8;
	[tilespmem:$0x10400] =	vst v63  }
0xb1: {  	s1 =	rddreg [dreg:$0x16]  }
0xb2: {  	[tilespmem:s1], [sflag:$0x3] =	stream.indirect_vreg.gather [hbm4b:s28+s4], $0x80, v3, vm0, $0xb8;
	[tilespmem:$0x10400] =	vst v63  }
0xb3: {  	v3 =	vld [tilespmem:s26+$0xA0];
	_ =	sdelay $0x4  }
0xb4: {  	v58 =	vshll.u32 v3, $0x1  }
0xb5: {  	v3 =	vand.u32 $0x7, v3;
	v4 =	vand.u32 $0xFFFFFFF0, v58  }
0xb6: {  	v3 =	vor.u32 v3, v4  }
0xb7: {  	v4 =	vperm.xlane v3, v0;
	_ =	sdelay $0x1  }
0xb8: {  	v3 =	vperm.xlane v3, v2;
	v4 =	vadd.s32 v1, v4;
	_ =	sdelay $0x1  }
0xb9: {  	v3 =	vadd.s32 v1, v3;
	_ =	sdelay $0x1  }
0xba: {  	s0 =	rddreg [dreg:$0x17]  }
0xbb: {  	[tilespmem:s0], [sflag:$0x3] =	stream.indirect_vreg.gather [hbm4b:s28+s4], $0x80, v4, vm0, $0xb8;
	[tilespmem:$0x10400] =	vst v63  }
0xbc: {  	s1 =	rddreg [dreg:$0x18]  }
0xbd: {  	[tilespmem:s1], [sflag:$0x3] =	stream.indirect_vreg.gather [hbm4b:s28+s4], $0x80, v3, vm0, $0xb8;
	[tilespmem:$0x10400] =	vst v63  }
0xbe: {  	v3 =	vld [tilespmem:s26+$0xB0];
	_ =	sdelay $0x4  }
0xbf: {  	v59 =	vshll.u32 v3, $0x1  }
0xc0: {  	v3 =	vand.u32 $0x7, v3;
	v4 =	vand.u32 $0xFFFFFFF0, v59  }
0xc1: {  	v3 =	vor.u32 v3, v4  }
0xc2: {  	v4 =	vperm.xlane v3, v0;
	_ =	sdelay $0x1  }
0xc3: {  	v3 =	vperm.xlane v3, v2;
	v4 =	vadd.s32 v1, v4;
	_ =	sdelay $0x1  }
0xc4: {  	v3 =	vadd.s32 v1, v3;
	_ =	sdelay $0x1  }
0xc5: {  	s0 =	rddreg [dreg:$0x19]  }
0xc6: {  	[tilespmem:s0], [sflag:$0x3] =	stream.indirect_vreg.gather [hbm4b:s28+s4], $0x80, v4, vm0, $0xb8;
	[tilespmem:$0x10400] =	vst v63  }
0xc7: {  	s1 =	rddreg [dreg:$0x1a]  }
0xc8: {  	[tilespmem:s1], [sflag:$0x3] =	stream.indirect_vreg.gather [hbm4b:s28+s4], $0x80, v3, vm0, $0xb8;
	[tilespmem:$0x10400] =	vst v63  }
0xc9: {  	_ =	swait.ge [sflag:s12], $0x4000  }
0xca: {  	s1 =	sshll.u32 s30, $0x5;
	[sflag:s12] =	ssyncset.done $0x0  }
0xcb: {  	s0 =	sadd.s32 s1, s29;
	[sflag:s12] =	ssyncadd.s32 $0xFFFFC000  }
0xcc: {  	[hbm4b:s0+s4] =	stream.linear.scatter [tilespmem:s9], [sflag:$0x6], $0x4000, $0x38;
	[tilespmem:$0x10400] =	vst v63  }
0xcd: {  	s0 =	simm.s32 @!p0 $0x8  }
0xce: {  	_ =	swait.ge @!p0 [sflag:s0], $0x4000  }
0xcf: {  	[sflag:s0] =	ssyncset.done @!p0 $0x0  }
0xd0: {  	[sflag:s0] =	ssyncadd.s32 @!p0 $0xFFFFC000  }
0xd1: {  	v3 =	vld [tilespmem:s26+$0xC0];
	_ =	sdelay $0x4  }
0xd2: {  	v60 =	vshll.u32 v3, $0x1  }
0xd3: {  	v3 =	vand.u32 $0x7, v3;
	v4 =	vand.u32 $0xFFFFFFF0, v60  }
0xd4: {  	v3 =	vor.u32 v3, v4  }
0xd5: {  	v4 =	vperm.xlane v3, v0;
	_ =	sdelay $0x1  }
0xd6: {  	v3 =	vperm.xlane v3, v2;
	v4 =	vadd.s32 v1, v4;
	_ =	sdelay $0x1  }
0xd7: {  	v3 =	vadd.s32 v1, v3;
	_ =	sdelay $0x2  }
0xd8: {  	[tilespmem:s13], [sflag:$0x4] =	stream.indirect_vreg.gather [hbm4b:s28+s4], $0x80, v4, vm0, $0xb8;
	[tilespmem:$0x10400] =	vst v63  }
0xd9: {  	s30 =	rddreg [dreg:$0x1b]  }
0xda: {  	[tilespmem:s30], [sflag:$0x4] =	stream.indirect_vreg.gather [hbm4b:s28+s4], $0x80, v3, vm0, $0xb8;
	[tilespmem:$0x10400] =	vst v63  }
0xdb: {  	v3 =	vld [tilespmem:s26+$0xD0];
	_ =	sdelay $0x4  }
0xdc: {  	v61 =	vshll.u32 v3, $0x1  }
0xdd: {  	v3 =	vand.u32 $0x7, v3;
	v4 =	vand.u32 $0xFFFFFFF0, v61  }
0xde: {  	v3 =	vor.u32 v3, v4  }
0xdf: {  	v4 =	vperm.xlane v3, v0;
	_ =	sdelay $0x1  }
0xe0: {  	v3 =	vperm.xlane v3, v2;
	v4 =	vadd.s32 v1, v4;
	_ =	sdelay $0x1  }
0xe1: {  	v3 =	vadd.s32 v1, v3;
	_ =	sdelay $0x1  }
0xe2: {  	s1 =	rddreg [dreg:$0x1c]  }
0xe3: {  	[tilespmem:s1], [sflag:$0x4] =	stream.indirect_vreg.gather [hbm4b:s28+s4], $0x80, v4, vm0, $0xb8;
	[tilespmem:$0x10400] =	vst v63  }
0xe4: {  	s30 =	rddreg [dreg:$0x1d]  }
0xe5: {  	[tilespmem:s30], [sflag:$0x4] =	stream.indirect_vreg.gather [hbm4b:s28+s4], $0x80, v3, vm0, $0xb8;
	[tilespmem:$0x10400] =	vst v63  }
0xe6: {  	v3 =	vld [tilespmem:s26+$0xE0];
	_ =	sdelay $0x4  }
0xe7: {  	v62 =	vshll.u32 v3, $0x1  }
0xe8: {  	v3 =	vand.u32 $0x7, v3;
	v4 =	vand.u32 $0xFFFFFFF0, v62  }
0xe9: {  	v3 =	vor.u32 v3, v4  }
0xea: {  	v4 =	vperm.xlane v3, v0;
	_ =	sdelay $0x1  }
0xeb: {  	v3 =	vperm.xlane v3, v2;
	v4 =	vadd.s32 v1, v4;
	_ =	sdelay $0x1  }
0xec: {  	v3 =	vadd.s32 v1, v3;
	_ =	sdelay $0x1  }
0xed: {  	s1 =	rddreg [dreg:$0x1e]  }
0xee: {  	[tilespmem:s1], [sflag:$0x4] =	stream.indirect_vreg.gather [hbm4b:s28+s4], $0x80, v4, vm0, $0xb8;
	[tilespmem:$0x10400] =	vst v63  }
0xef: {  	s30 =	rddreg [dreg:$0x1f]  }
0xf0: {  	[tilespmem:s30], [sflag:$0x4] =	stream.indirect_vreg.gather [hbm4b:s28+s4], $0x80, v3, vm0, $0xb8;
	[tilespmem:$0x10400] =	vst v63  }
0xf1: {  	v3 =	vld [tilespmem:s26+$0xF0];
	_ =	sdelay $0x4  }
0xf2: {  	v63 =	vshll.u32 v3, $0x1  }
0xf3: {  	v3 =	vand.u32 $0x7, v3;
	v4 =	vand.u32 $0xFFFFFFF0, v63  }
0xf4: {  	v3 =	vor.u32 v3, v4  }
0xf5: {  	v4 =	vperm.xlane v3, v0;
	_ =	sdelay $0x1  }
0xf6: {  	v3 =	vperm.xlane v3, v2;
	v4 =	vadd.s32 v1, v4;
	_ =	sdelay $0x1  }
0xf7: {  	s26 =	sld [smem:$0x7FC];
	v3 =	vadd.s32 v1, v3;
	_ =	sdelay $0x1  }
0xf8: {  	s25 =	sadd.s32 $0x100, s25;
	s30 =	sld [smem:$0x7FD]  }
0xf9: {  	[tilespmem:s26], [sflag:$0x4] =	stream.indirect_vreg.gather [hbm4b:s28+s4], $0x80, v4, vm0, $0xb8;
	[tilespmem:$0x10400] =	vst v63  }
0xfa: {  	p0 =	sne.s32 s25, $0x1000  }
0xfb: {  	[tilespmem:s30], [sflag:$0x4] =	stream.indirect_vreg.gather [hbm4b:s28+s4], $0x80, v3, vm0, $0xb8;
	[tilespmem:$0x10400] =	vst v63  }
.Ltmp0:
0xfc: {  	_ = 	snop;
	(pc) =	sbr.rel @p0 .LBB2_2-.Ltmp0, $4  }
0xfd: {  	s24 =	sadd.s32 $0x40000, s24;
	_ =	swait.ge [sflag:s14], $0x4000  }
0xfe: {  	s22 =	sadd.s32 $0x4, s22;
	s31 =	sshll.u32 s31, $0x5;
	[sflag:s14] =	ssyncset.done $0x0  }
0xff: {  	s23 =	sadd.s32 $0x2000, s23;
	s0 =	sadd.s32 s31, s29;
	[sflag:s14] =	ssyncadd.s32 $0xFFFFC000  }
0x100: {  	[hbm4b:s0+s4] =	stream.linear.scatter [tilespmem:s11], [sflag:$0x7], $0x4000, $0x38;
	[tilespmem:$0x10400] =	vst v63  }
0x101: {  	_ =	swait.ge [sflag:s15], $0x4000  }
0x102: {  	[sflag:s15] =	ssyncset.done $0x0  }
0x103: {  	[sflag:s15] =	ssyncadd.s32 $0xFFFFC000  }
0x104: {  	[hbm4b:s16+s4] =	stream.linear.scatter [tilespmem:s13], [sflag:$0x8], $0x4000, $0x38;
	[tilespmem:$0x10400] =	vst v63  }
0x105: {  	_ =	swait.ge [sflag:s17], $0x4000  }
0x106: {  	[sflag:s17] =	ssyncset.done $0x0  }
0x107: {  	[sflag:s17] =	ssyncadd.s32 $0xFFFFC000  }
0x108: {  	_ =	swait.ge [sflag:s18], $0x4000  }
0x109: {  	[sflag:s18] =	ssyncset.done $0x0  }
0x10a: {  	s21 =	sadd.s32 $0x1, s21;
	[sflag:s18] =	ssyncadd.s32 $0xFFFFC000  }
0x10b: {  	p0 =	sne.s32 s21, s6;
	_ =	swait.ge [sflag:s19], $0x4000  }
.Ltmp1:
0x10c: {  	[sflag:s19] =	ssyncset.done $0x0;
	(pc) =	sbr.rel @p0 .LBB2_1-.Ltmp1, $4  }
0x10d: {  	[sflag:s19] =	ssyncadd.s32 $0xFFFFC000  }
0x10e: {  	_ =	swait.ge [sflag:s20], $0x4000  }
0x10f: {  	[sflag:s20] =	ssyncset.done $0x0  }
0x110: {  	[sflag:s20] =	ssyncadd.s32 $0xFFFFC000  }
0x111: {  	_ =	sfence.sel $0x180000  }
0x112: {  	[bflag:$0x0] =	sbarrier.arrive $0xFFFF  }
0x113: {  	_ =	strace $0x90000047  }
0x114: {  	s0 =	stileid.u32;
	[bflag:$0x2] =	sbarrier.arrive $0xFFFF  }
0x115: {  	p0 =	sne.s32 s0, $0x0;
	s0 =	rddreg [dreg:$0x3]  }
0x116: {  	s0 =	sadd.s32 @!p0 $0x100000, s0  }
0x117: {  	[sflag:s0] =	ssyncadd.tile.s32 @!p0 $0x1;
	_ =	shalt  }
.Lfunc_end2:
_tile_overlayer_lowered:
.L_overlay_start_2:
0x118: {  	(tag) =	ssettag $0x2  }
0x119: {  	s0 =	rddreg [dreg:$0x0];
	s2 =	stileid.u32  }
0x11a: {  	s1 =	rddreg [dreg:$0x1];
	p0 =	sne.s32 s2, $0x0  }
0x11b: {  	s3 =	rddreg [dreg:$0x2];
	[bflag:$0x3] =	sbarrier.arrive $0xFFFF;
	s2 =	simm.s32 @!p0 $0x1C09  }
0x11c: {  	[timem:s3], [sflag:s2] =	dma.local @!p0 [hbm:s0], s1  }
0x11d: {  	s0 =	simm.s32 @!p0 $0x9  }
0x11e: {  	_ =	swait.ge @!p0 [sflag:s0], s1  }
0x11f: {  	s1 =	ssub.s32 @!p0 $0x0, s1;
	[sflag:s0] =	ssyncset.done @!p0 $0x0  }
0x120: {  	[sflag:s0] =	ssyncadd.s32 @!p0 s1  }
0x121: {  	[bflag:$0x3] =	sbarrier.arrive $0xFFFF  }
0x122: {  	_ =	shalt  }

</sc_bundles>
